<compile_context>
chip_gen: v7x
topology: tpu7x:2x2x1
jax: 0.10.2.dev20260603
libtpu: 0.0.44.dev20260713+nightly
codegen_flags: <defaults>
</compile_context>

<pallas_src>
import functools

import jax
import jax.numpy as jnp
from jax import lax
from jax.experimental import pallas as pl
from jax.experimental.pallas import tpu as pltpu
from jax.experimental.pallas import tpu_sc as plsc

HIDDEN = 4096
NC, NS = 2, 16
NW = NC * NS
K = 4
NBUF = 6
AHEAD = NBUF - 1


@functools.partial(jax.jit, static_argnames=("batch",))
def _embedding_lookup(ids, table, *, batch):
    b_per_w = batch // NW
    nsteps = b_per_w // K
    mesh = plsc.VectorSubcoreMesh(
        core_axis_name="c", subcore_axis_name="s", num_cores=NC, num_subcores=NS
    )

    @functools.partial(
        pl.kernel,
        out_type=jax.ShapeDtypeStruct((batch, HIDDEN), jnp.float32),
        mesh=mesh,
        scratch_types=[
            pltpu.VMEM((nsteps, K), jnp.int32),
            [pltpu.VMEM((K, HIDDEN), jnp.float32) for _ in range(NBUF)],
            [pltpu.SemaphoreType.DMA for _ in range(NBUF)],
            [pltpu.SemaphoreType.DMA for _ in range(NBUF)],
        ],
    )
    def body(table_hbm, ids_hbm, out_hbm, idx_v, rows, gsem, ssem):
        wid = lax.axis_index("s") * NC + lax.axis_index("c")
        base = wid * b_per_w
        pltpu.sync_copy(ids_hbm.at[wid], idx_v)

        def g_copy(s, b):
            return pltpu.make_async_copy(table_hbm.at[idx_v.at[s]], rows[b], gsem[b])

        def s_copy(s, b):
            dst = out_hbm.at[pl.ds(base + s * K, K)]
            return pltpu.make_async_copy(rows[b], dst, ssem[b])

        for s in range(AHEAD):
            g_copy(s, s % NBUF).start()

        def consume(s, b):
            g_copy(s, b).wait()
            s_copy(s, b).start()

        def issue(s, sn, bn, wait_store):
            if wait_store:
                s_copy(sn - NBUF, bn).wait()
            g_copy(sn, bn).start()

        head = NBUF - AHEAD
        for s in range(head):
            consume(s, s % NBUF)
            issue(s, s + AHEAD, (s + AHEAD) % NBUF, wait_store=False)

        lo, hi = head, nsteps - AHEAD
        n_loop = ((hi - lo) // NBUF) * NBUF

        @pl.loop(lo, lo + n_loop, step=NBUF)
        def _(i):
            for j in range(NBUF):
                s = i + j
                b = (lo + j) % NBUF
                consume(s, b)
                issue(s, s + AHEAD, (b + AHEAD) % NBUF, wait_store=True)

        for s in range(lo + n_loop, hi):
            consume(s, s % NBUF)
            issue(s, s + AHEAD, (s + AHEAD) % NBUF, wait_store=True)

        for s in range(hi, nsteps):
            consume(s, s % NBUF)
        for s in range(nsteps - NBUF, nsteps):
            s_copy(s, s % NBUF).wait()

    return body(table, ids)


def kernel(input_ids, embed_tokens):
    batch = input_ids.size
    ids = input_ids.reshape(NW, batch // (NW * K), K).astype(jnp.int32)
    out = _embedding_lookup(ids, embed_tokens, batch=batch)
    return out.reshape(*input_ids.shape, HIDDEN)

# --- scband reference (transcript-rebuilt; emitter-appended) ---
"""Pipeline reference for scband-llama-embedding-32272384262504 (READ-ONLY COPY).

The authoritative reference and input builder live on the scoring server;
editing this copy changes nothing except your own understanding.
"""

import jax, jax.numpy as jnp
import numpy as np

VOCAB_SIZE = 32000
HIDDEN_SIZE = 4096
PADDING_IDX = 0

def setup_inputs(seed: int = 0) -> dict:
    key = jax.random.key(seed)
    k_ids, k_tab = jax.random.split(key)
    input_ids = jax.random.randint(k_ids, (4, 2048), 0, VOCAB_SIZE, dtype=jnp.int64 if jax.config.jax_enable_x64 else jnp.int32)
    embed_tokens = jax.random.normal(k_tab, (VOCAB_SIZE, HIDDEN_SIZE), dtype=jnp.float32)
    # nn.Embedding with padding_idx initializes the padding row to zeros
    embed_tokens = embed_tokens.at[PADDING_IDX].set(0.0)
    return {"input_ids": input_ids, "embed_tokens": embed_tokens}

def reference(input_ids, embed_tokens):
    # LlamaEmbedding.forward: inputs_embeds = self.embed_tokens(input_ids)
    inputs_embeds = jnp.take(embed_tokens, input_ids, axis=0)
    return inputs_embeds

if __name__ == "__main__":
    import jax
    _d = setup_inputs()
    print(jax.jit(kernel)(*tuple(_d.values())))

</pallas_src>

<mosaic_0001>
#map = affine_map<(d0, d1) -> (0, 0)>
#map1 = affine_map<(d0, d1) -> (0, 0, 0)>
module attributes {stable_mosaic.version = 14 : i64} {
  func.func @body(%arg0: i32, %arg1: i32, %arg2: memref<32000x4096xf32, #tpu.memory_space<hbm>>, %arg3: memref<32x64x4xi32, #tpu.memory_space<hbm>>, %arg4: memref<8192x4096xf32, #tpu.memory_space<hbm>>, %arg5: memref<64x4xi32, #tpu.memory_space<vmem>>, %arg6: memref<4x4096xf32, #tpu.memory_space<vmem>>, %arg7: memref<4x4096xf32, #tpu.memory_space<vmem>>, %arg8: memref<4x4096xf32, #tpu.memory_space<vmem>>, %arg9: memref<4x4096xf32, #tpu.memory_space<vmem>>, %arg10: memref<4x4096xf32, #tpu.memory_space<vmem>>, %arg11: memref<4x4096xf32, #tpu.memory_space<vmem>>, %arg12: memref<!tpu.dma_semaphore, #tpu.memory_space<semaphore_mem>>, %arg13: memref<!tpu.dma_semaphore, #tpu.memory_space<semaphore_mem>>, %arg14: memref<!tpu.dma_semaphore, #tpu.memory_space<semaphore_mem>>, %arg15: memref<!tpu.dma_semaphore, #tpu.memory_space<semaphore_mem>>, %arg16: memref<!tpu.dma_semaphore, #tpu.memory_space<semaphore_mem>>, %arg17: memref<!tpu.dma_semaphore, #tpu.memory_space<semaphore_mem>>, %arg18: memref<!tpu.dma_semaphore, #tpu.memory_space<semaphore_mem>>, %arg19: memref<!tpu.dma_semaphore, #tpu.memory_space<semaphore_mem>>, %arg20: memref<!tpu.dma_semaphore, #tpu.memory_space<semaphore_mem>>, %arg21: memref<!tpu.dma_semaphore, #tpu.memory_space<semaphore_mem>>, %arg22: memref<!tpu.dma_semaphore, #tpu.memory_space<semaphore_mem>>, %arg23: memref<!tpu.dma_semaphore, #tpu.memory_space<semaphore_mem>>) attributes {dimension_semantics = [#tpu.dimension_semantics<core_parallel>, #tpu.dimension_semantics<subcore_parallel>], iteration_bounds = array<i64: 2, 16>, scalar_prefetch = 0 : i64, scratch_operands = 19 : i64, tpu.core_type = #tpu.core_type<sc_vector_subcore>, window_params = [{transform_indices = #map}, {transform_indices = #map1}, {transform_indices = #map}]} {
    %mul3A = arith.constant 2 : i32
    %mul3A_0 = arith.muli %arg1, %mul3A : i32
    %add3A = arith.addi %mul3A_0, %arg0 : i32
    %mul3A_1 = arith.constant 256 : i32
    %mul3A_2 = arith.muli %add3A, %mul3A_1 : i32
    "tpu.region"() ({
      %run_scoped3A = tpu.sem_alloc : memref<!tpu.dma_semaphore, #tpu.memory_space<semaphore_mem>>
      %dma_start3A_265 = arith.constant 0 : i32
      %dma_start3A_266 = arith.constant 0 : i32
      %dma_start3A_267 = tpu.memref_slice %arg3[%add3A, %dma_start3A_265, %dma_start3A_266] : memref<32x64x4xi32, #tpu.memory_space<hbm>> -> memref<1x64x4xi32, #tpu.memory_space<hbm>>
      %dma_start3A_268 = tpu.memref_squeeze %dma_start3A_267 : memref<1x64x4xi32, #tpu.memory_space<hbm>> -> memref<64x4xi32, #tpu.memory_space<hbm>>
      %dma_start3A_269 = arith.constant 0 : i32
      %dma_start3A_270 = arith.constant 0 : i32
      %dma_start3A_271 = tpu.memref_slice %arg3[%add3A, %dma_start3A_269, %dma_start3A_270] : memref<32x64x4xi32, #tpu.memory_space<hbm>> -> memref<1x64x4xi32, #tpu.memory_space<hbm>>
      %dma_start3A_272 = tpu.memref_squeeze %dma_start3A_271 : memref<1x64x4xi32, #tpu.memory_space<hbm>> -> memref<64x4xi32, #tpu.memory_space<hbm>>
      tpu.enqueue_dma source(%dma_start3A_272 : memref<64x4xi32, #tpu.memory_space<hbm>>) target(%arg5 : memref<64x4xi32, #tpu.memory_space<vmem>>) target_semaphore(%run_scoped3A : memref<!tpu.dma_semaphore, #tpu.memory_space<semaphore_mem>>)
      %dma_wait3A_273 = arith.constant 0 : i32
      %dma_wait3A_274 = arith.constant 0 : i32
      %dma_wait3A_275 = tpu.memref_slice %arg3[%add3A, %dma_wait3A_273, %dma_wait3A_274] : memref<32x64x4xi32, #tpu.memory_space<hbm>> -> memref<1x64x4xi32, #tpu.memory_space<hbm>>
      %dma_wait3A_276 = tpu.memref_squeeze %dma_wait3A_275 : memref<1x64x4xi32, #tpu.memory_space<hbm>> -> memref<64x4xi32, #tpu.memory_space<hbm>>
      %dma_wait3A_277 = arith.constant 0 : i32
      %dma_wait3A_278 = arith.constant 0 : i32
      %dma_wait3A_279 = tpu.memref_slice %arg3[%add3A, %dma_wait3A_277, %dma_wait3A_278] : memref<32x64x4xi32, #tpu.memory_space<hbm>> -> memref<1x64x4xi32, #tpu.memory_space<hbm>>
      %dma_wait3A_280 = tpu.memref_squeeze %dma_wait3A_279 : memref<1x64x4xi32, #tpu.memory_space<hbm>> -> memref<64x4xi32, #tpu.memory_space<hbm>>
      tpu.wait_dma2 semaphore(%run_scoped3A : memref<!tpu.dma_semaphore, #tpu.memory_space<semaphore_mem>>) src(%dma_wait3A_280 : memref<64x4xi32, #tpu.memory_space<hbm>>) dst(%arg5 : memref<64x4xi32, #tpu.memory_space<vmem>>)
      tpu.yield
    }) : () -> ()
    %dma_start3A = arith.constant 0 : i32
    %dma_start3A_3 = arith.constant 0 : i32
    %dma_start3A_4 = tpu.memref_slice %arg5[%dma_start3A, %dma_start3A_3] : memref<64x4xi32, #tpu.memory_space<vmem>> -> memref<1x4xi32, #tpu.memory_space<vmem>>
    %dma_start3A_5 = tpu.memref_squeeze %dma_start3A_4 : memref<1x4xi32, #tpu.memory_space<vmem>> -> memref<4xi32, #tpu.memory_space<vmem>>
    %dma_start3A_6 = arith.constant 0 : i32
    %dma_start3A_7 = arith.constant 0 : i32
    %dma_start3A_8 = tpu.memref_slice %arg2[%dma_start3A_6, %dma_start3A_7] : memref<32000x4096xf32, #tpu.memory_space<hbm>> -> memref<32000x4096xf32, #tpu.memory_space<hbm>>
    tpu.enqueue_indirect_dma source(%dma_start3A_8 : memref<32000x4096xf32, #tpu.memory_space<hbm>>) target(%arg6 : memref<4x4096xf32, #tpu.memory_space<vmem>>) offsets(%dma_start3A_5 : memref<4xi32, #tpu.memory_space<vmem>>) semaphore(%arg12 : memref<!tpu.dma_semaphore, #tpu.memory_space<semaphore_mem>>)
    %dma_start3A_9 = arith.constant 1 : i32
    %dma_start3A_10 = arith.constant 0 : i32
    %dma_start3A_11 = tpu.memref_slice %arg5[%dma_start3A_9, %dma_start3A_10] : memref<64x4xi32, #tpu.memory_space<vmem>> -> memref<1x4xi32, #tpu.memory_space<vmem>>
    %dma_start3A_12 = tpu.memref_squeeze %dma_start3A_11 : memref<1x4xi32, #tpu.memory_space<vmem>> -> memref<4xi32, #tpu.memory_space<vmem>>
    %dma_start3A_13 = arith.constant 0 : i32
    %dma_start3A_14 = arith.constant 0 : i32
    %dma_start3A_15 = tpu.memref_slice %arg2[%dma_start3A_13, %dma_start3A_14] : memref<32000x4096xf32, #tpu.memory_space<hbm>> -> memref<32000x4096xf32, #tpu.memory_space<hbm>>
    tpu.enqueue_indirect_dma source(%dma_start3A_15 : memref<32000x4096xf32, #tpu.memory_space<hbm>>) target(%arg7 : memref<4x4096xf32, #tpu.memory_space<vmem>>) offsets(%dma_start3A_12 : memref<4xi32, #tpu.memory_space<vmem>>) semaphore(%arg13 : memref<!tpu.dma_semaphore, #tpu.memory_space<semaphore_mem>>)
    %dma_start3A_16 = arith.constant 2 : i32
    %dma_start3A_17 = arith.constant 0 : i32
    %dma_start3A_18 = tpu.memref_slice %arg5[%dma_start3A_16, %dma_start3A_17] : memref<64x4xi32, #tpu.memory_space<vmem>> -> memref<1x4xi32, #tpu.memory_space<vmem>>
    %dma_start3A_19 = tpu.memref_squeeze %dma_start3A_18 : memref<1x4xi32, #tpu.memory_space<vmem>> -> memref<4xi32, #tpu.memory_space<vmem>>
    %dma_start3A_20 = arith.constant 0 : i32
    %dma_start3A_21 = arith.constant 0 : i32
    %dma_start3A_22 = tpu.memref_slice %arg2[%dma_start3A_20, %dma_start3A_21] : memref<32000x4096xf32, #tpu.memory_space<hbm>> -> memref<32000x4096xf32, #tpu.memory_space<hbm>>
    tpu.enqueue_indirect_dma source(%dma_start3A_22 : memref<32000x4096xf32, #tpu.memory_space<hbm>>) target(%arg8 : memref<4x4096xf32, #tpu.memory_space<vmem>>) offsets(%dma_start3A_19 : memref<4xi32, #tpu.memory_space<vmem>>) semaphore(%arg14 : memref<!tpu.dma_semaphore, #tpu.memory_space<semaphore_mem>>)
    %dma_start3A_23 = arith.constant 3 : i32
    %dma_start3A_24 = arith.constant 0 : i32
    %dma_start3A_25 = tpu.memref_slice %arg5[%dma_start3A_23, %dma_start3A_24] : memref<64x4xi32, #tpu.memory_space<vmem>> -> memref<1x4xi32, #tpu.memory_space<vmem>>
    %dma_start3A_26 = tpu.memref_squeeze %dma_start3A_25 : memref<1x4xi32, #tpu.memory_space<vmem>> -> memref<4xi32, #tpu.memory_space<vmem>>
    %dma_start3A_27 = arith.constant 0 : i32
    %dma_start3A_28 = arith.constant 0 : i32
    %dma_start3A_29 = tpu.memref_slice %arg2[%dma_start3A_27, %dma_start3A_28] : memref<32000x4096xf32, #tpu.memory_space<hbm>> -> memref<32000x4096xf32, #tpu.memory_space<hbm>>
    tpu.enqueue_indirect_dma source(%dma_start3A_29 : memref<32000x4096xf32, #tpu.memory_space<hbm>>) target(%arg9 : memref<4x4096xf32, #tpu.memory_space<vmem>>) offsets(%dma_start3A_26 : memref<4xi32, #tpu.memory_space<vmem>>) semaphore(%arg15 : memref<!tpu.dma_semaphore, #tpu.memory_space<semaphore_mem>>)
    %dma_start3A_30 = arith.constant 4 : i32
    %dma_start3A_31 = arith.constant 0 : i32
    %dma_start3A_32 = tpu.memref_slice %arg5[%dma_start3A_30, %dma_start3A_31] : memref<64x4xi32, #tpu.memory_space<vmem>> -> memref<1x4xi32, #tpu.memory_space<vmem>>
    %dma_start3A_33 = tpu.memref_squeeze %dma_start3A_32 : memref<1x4xi32, #tpu.memory_space<vmem>> -> memref<4xi32, #tpu.memory_space<vmem>>
    %dma_start3A_34 = arith.constant 0 : i32
    %dma_start3A_35 = arith.constant 0 : i32
    %dma_start3A_36 = tpu.memref_slice %arg2[%dma_start3A_34, %dma_start3A_35] : memref<32000x4096xf32, #tpu.memory_space<hbm>> -> memref<32000x4096xf32, #tpu.memory_space<hbm>>
    tpu.enqueue_indirect_dma source(%dma_start3A_36 : memref<32000x4096xf32, #tpu.memory_space<hbm>>) target(%arg10 : memref<4x4096xf32, #tpu.memory_space<vmem>>) offsets(%dma_start3A_33 : memref<4xi32, #tpu.memory_space<vmem>>) semaphore(%arg16 : memref<!tpu.dma_semaphore, #tpu.memory_space<semaphore_mem>>)
    %dma_wait3A = arith.constant 0 : i32
    %dma_wait3A_37 = arith.constant 0 : i32
    %dma_wait3A_38 = tpu.memref_slice %arg5[%dma_wait3A, %dma_wait3A_37] : memref<64x4xi32, #tpu.memory_space<vmem>> -> memref<1x4xi32, #tpu.memory_space<vmem>>
    %dma_wait3A_39 = tpu.memref_squeeze %dma_wait3A_38 : memref<1x4xi32, #tpu.memory_space<vmem>> -> memref<4xi32, #tpu.memory_space<vmem>>
    %dma_wait3A_40 = arith.constant 0 : i32
    %dma_wait3A_41 = arith.constant 0 : i32
    %dma_wait3A_42 = tpu.memref_slice %arg2[%dma_wait3A_40, %dma_wait3A_41] : memref<32000x4096xf32, #tpu.memory_space<hbm>> -> memref<32000x4096xf32, #tpu.memory_space<hbm>>
    tpu.wait_indirect_dma semaphore(%arg12 : memref<!tpu.dma_semaphore, #tpu.memory_space<semaphore_mem>>) src(%dma_wait3A_42 : memref<32000x4096xf32, #tpu.memory_space<hbm>>) dst(%arg6 : memref<4x4096xf32, #tpu.memory_space<vmem>>)
    %add3A_43 = arith.constant 0 : i32
    %add3A_44 = arith.addi %mul3A_2, %add3A_43 : i32
    %dma_start3A_45 = arith.constant 0 : i32
    %dma_start3A_46 = tpu.memref_slice %arg4[%add3A_44, %dma_start3A_45] : memref<8192x4096xf32, #tpu.memory_space<hbm>> -> memref<4x4096xf32, #tpu.memory_space<hbm>>
    %dma_start3A_47 = arith.constant 0 : i32
    %dma_start3A_48 = tpu.memref_slice %arg4[%add3A_44, %dma_start3A_47] : memref<8192x4096xf32, #tpu.memory_space<hbm>> -> memref<4x4096xf32, #tpu.memory_space<hbm>>
    tpu.enqueue_dma source(%arg6 : memref<4x4096xf32, #tpu.memory_space<vmem>>) target(%dma_start3A_48 : memref<4x4096xf32, #tpu.memory_space<hbm>>) target_semaphore(%arg18 : memref<!tpu.dma_semaphore, #tpu.memory_space<semaphore_mem>>)
    %dma_start3A_49 = arith.constant 5 : i32
    %dma_start3A_50 = arith.constant 0 : i32
    %dma_start3A_51 = tpu.memref_slice %arg5[%dma_start3A_49, %dma_start3A_50] : memref<64x4xi32, #tpu.memory_space<vmem>> -> memref<1x4xi32, #tpu.memory_space<vmem>>
    %dma_start3A_52 = tpu.memref_squeeze %dma_start3A_51 : memref<1x4xi32, #tpu.memory_space<vmem>> -> memref<4xi32, #tpu.memory_space<vmem>>
    %dma_start3A_53 = arith.constant 0 : i32
    %dma_start3A_54 = arith.constant 0 : i32
    %dma_start3A_55 = tpu.memref_slice %arg2[%dma_start3A_53, %dma_start3A_54] : memref<32000x4096xf32, #tpu.memory_space<hbm>> -> memref<32000x4096xf32, #tpu.memory_space<hbm>>
    tpu.enqueue_indirect_dma source(%dma_start3A_55 : memref<32000x4096xf32, #tpu.memory_space<hbm>>) target(%arg11 : memref<4x4096xf32, #tpu.memory_space<vmem>>) offsets(%dma_start3A_52 : memref<4xi32, #tpu.memory_space<vmem>>) semaphore(%arg17 : memref<!tpu.dma_semaphore, #tpu.memory_space<semaphore_mem>>)
    %scan3A = arith.constant 0 : i32
    %scan3A_56 = arith.constant 9 : i32
    %scan3A_57 = arith.addi %scan3A, %scan3A_56 : i32
    %scan3A_58 = arith.constant 1 : i32
    scf.for %scan3A_265 = %scan3A to %scan3A_57 step %scan3A_58  : i32 {
      %mul3A_266 = arith.constant 6 : i32
      %mul3A_267 = arith.muli %scan3A_265, %mul3A_266 : i32
      %add3A_268 = arith.constant 1 : i32
      %add3A_269 = arith.addi %add3A_268, %mul3A_267 : i32
      %add3A_270 = arith.constant 0 : i32
      %add3A_271 = arith.addi %add3A_269, %add3A_270 : i32
      %dma_wait3A_272 = arith.constant 0 : i32
      %dma_wait3A_273 = tpu.memref_slice %arg5[%add3A_271, %dma_wait3A_272] : memref<64x4xi32, #tpu.memory_space<vmem>> -> memref<1x4xi32, #tpu.memory_space<vmem>>
      %dma_wait3A_274 = tpu.memref_squeeze %dma_wait3A_273 : memref<1x4xi32, #tpu.memory_space<vmem>> -> memref<4xi32, #tpu.memory_space<vmem>>
      %dma_wait3A_275 = arith.constant 0 : i32
      %dma_wait3A_276 = arith.constant 0 : i32
      %dma_wait3A_277 = tpu.memref_slice %arg2[%dma_wait3A_275, %dma_wait3A_276] : memref<32000x4096xf32, #tpu.memory_space<hbm>> -> memref<32000x4096xf32, #tpu.memory_space<hbm>>
      tpu.wait_indirect_dma semaphore(%arg13 : memref<!tpu.dma_semaphore, #tpu.memory_space<semaphore_mem>>) src(%dma_wait3A_277 : memref<32000x4096xf32, #tpu.memory_space<hbm>>) dst(%arg7 : memref<4x4096xf32, #tpu.memory_space<vmem>>)
      %mul3A_278 = arith.constant 4 : i32
      %mul3A_279 = arith.muli %add3A_271, %mul3A_278 : i32
      %add3A_280 = arith.addi %mul3A_2, %mul3A_279 : i32
      %dma_start3A_281 = arith.constant 0 : i32
      %dma_start3A_282 = tpu.memref_slice %arg4[%add3A_280, %dma_start3A_281] : memref<8192x4096xf32, #tpu.memory_space<hbm>> -> memref<4x4096xf32, #tpu.memory_space<hbm>>
      %dma_start3A_283 = arith.constant 0 : i32
      %dma_start3A_284 = tpu.memref_slice %arg4[%add3A_280, %dma_start3A_283] : memref<8192x4096xf32, #tpu.memory_space<hbm>> -> memref<4x4096xf32, #tpu.memory_space<hbm>>
      tpu.enqueue_dma source(%arg7 : memref<4x4096xf32, #tpu.memory_space<vmem>>) target(%dma_start3A_284 : memref<4x4096xf32, #tpu.memory_space<hbm>>) target_semaphore(%arg19 : memref<!tpu.dma_semaphore, #tpu.memory_space<semaphore_mem>>)
      %add3A_285 = arith.constant 5 : i32
      %add3A_286 = arith.addi %add3A_271, %add3A_285 : i32
      %sub3A = arith.constant 6 : i32
      %sub3A_287 = arith.subi %add3A_286, %sub3A : i32
      %mul3A_288 = arith.constant 4 : i32
      %mul3A_289 = arith.muli %sub3A_287, %mul3A_288 : i32
      %add3A_290 = arith.addi %mul3A_2, %mul3A_289 : i32
      %dma_wait3A_291 = arith.constant 0 : i32
      %dma_wait3A_292 = tpu.memref_slice %arg4[%add3A_290, %dma_wait3A_291] : memref<8192x4096xf32, #tpu.memory_space<hbm>> -> memref<4x4096xf32, #tpu.memory_space<hbm>>
      %dma_wait3A_293 = arith.constant 0 : i32
      %dma_wait3A_294 = tpu.memref_slice %arg4[%add3A_290, %dma_wait3A_293] : memref<8192x4096xf32, #tpu.memory_space<hbm>> -> memref<4x4096xf32, #tpu.memory_space<hbm>>
      tpu.wait_dma2 semaphore(%arg18 : memref<!tpu.dma_semaphore, #tpu.memory_space<semaphore_mem>>) src(%arg6 : memref<4x4096xf32, #tpu.memory_space<vmem>>) dst(%dma_wait3A_294 : memref<4x4096xf32, #tpu.memory_space<hbm>>)
      %dma_start3A_295 = arith.constant 0 : i32
      %dma_start3A_296 = tpu.memref_slice %arg5[%add3A_286, %dma_start3A_295] : memref<64x4xi32, #tpu.memory_space<vmem>> -> memref<1x4xi32, #tpu.memory_space<vmem>>
      %dma_start3A_297 = tpu.memref_squeeze %dma_start3A_296 : memref<1x4xi32, #tpu.memory_space<vmem>> -> memref<4xi32, #tpu.memory_space<vmem>>
      %dma_start3A_298 = arith.constant 0 : i32
      %dma_start3A_299 = arith.constant 0 : i32
      %dma_start3A_300 = tpu.memref_slice %arg2[%dma_start3A_298, %dma_start3A_299] : memref<32000x4096xf32, #tpu.memory_space<hbm>> -> memref<32000x4096xf32, #tpu.memory_space<hbm>>
      tpu.enqueue_indirect_dma source(%dma_start3A_300 : memref<32000x4096xf32, #tpu.memory_space<hbm>>) target(%arg6 : memref<4x4096xf32, #tpu.memory_space<vmem>>) offsets(%dma_start3A_297 : memref<4xi32, #tpu.memory_space<vmem>>) semaphore(%arg12 : memref<!tpu.dma_semaphore, #tpu.memory_space<semaphore_mem>>)
      %add3A_301 = arith.constant 1 : i32
      %add3A_302 = arith.addi %add3A_269, %add3A_301 : i32
      %dma_wait3A_303 = arith.constant 0 : i32
      %dma_wait3A_304 = tpu.memref_slice %arg5[%add3A_302, %dma_wait3A_303] : memref<64x4xi32, #tpu.memory_space<vmem>> -> memref<1x4xi32, #tpu.memory_space<vmem>>
      %dma_wait3A_305 = tpu.memref_squeeze %dma_wait3A_304 : memref<1x4xi32, #tpu.memory_space<vmem>> -> memref<4xi32, #tpu.memory_space<vmem>>
      %dma_wait3A_306 = arith.constant 0 : i32
      %dma_wait3A_307 = arith.constant 0 : i32
      %dma_wait3A_308 = tpu.memref_slice %arg2[%dma_wait3A_306, %dma_wait3A_307] : memref<32000x4096xf32, #tpu.memory_space<hbm>> -> memref<32000x4096xf32, #tpu.memory_space<hbm>>
      tpu.wait_indirect_dma semaphore(%arg14 : memref<!tpu.dma_semaphore, #tpu.memory_space<semaphore_mem>>) src(%dma_wait3A_308 : memref<32000x4096xf32, #tpu.memory_space<hbm>>) dst(%arg8 : memref<4x4096xf32, #tpu.memory_space<vmem>>)
      %mul3A_309 = arith.constant 4 : i32
      %mul3A_310 = arith.muli %add3A_302, %mul3A_309 : i32
      %add3A_311 = arith.addi %mul3A_2, %mul3A_310 : i32
      %dma_start3A_312 = arith.constant 0 : i32
      %dma_start3A_313 = tpu.memref_slice %arg4[%add3A_311, %dma_start3A_312] : memref<8192x4096xf32, #tpu.memory_space<hbm>> -> memref<4x4096xf32, #tpu.memory_space<hbm>>
      %dma_start3A_314 = arith.constant 0 : i32
      %dma_start3A_315 = tpu.memref_slice %arg4[%add3A_311, %dma_start3A_314] : memref<8192x4096xf32, #tpu.memory_space<hbm>> -> memref<4x4096xf32, #tpu.memory_space<hbm>>
      tpu.enqueue_dma source(%arg8 : memref<4x4096xf32, #tpu.memory_space<vmem>>) target(%dma_start3A_315 : memref<4x4096xf32, #tpu.memory_space<hbm>>) target_semaphore(%arg20 : memref<!tpu.dma_semaphore, #tpu.memory_space<semaphore_mem>>)
      %add3A_316 = arith.constant 5 : i32
      %add3A_317 = arith.addi %add3A_302, %add3A_316 : i32
      %sub3A_318 = arith.constant 6 : i32
      %sub3A_319 = arith.subi %add3A_317, %sub3A_318 : i32
      %mul3A_320 = arith.constant 4 : i32
      %mul3A_321 = arith.muli %sub3A_319, %mul3A_320 : i32
      %add3A_322 = arith.addi %mul3A_2, %mul3A_321 : i32
      %dma_wait3A_323 = arith.constant 0 : i32
      %dma_wait3A_324 = tpu.memref_slice %arg4[%add3A_322, %dma_wait3A_323] : memref<8192x4096xf32, #tpu.memory_space<hbm>> -> memref<4x4096xf32, #tpu.memory_space<hbm>>
      %dma_wait3A_325 = arith.constant 0 : i32
      %dma_wait3A_326 = tpu.memref_slice %arg4[%add3A_322, %dma_wait3A_325] : memref<8192x4096xf32, #tpu.memory_space<hbm>> -> memref<4x4096xf32, #tpu.memory_space<hbm>>
      tpu.wait_dma2 semaphore(%arg19 : memref<!tpu.dma_semaphore, #tpu.memory_space<semaphore_mem>>) src(%arg7 : memref<4x4096xf32, #tpu.memory_space<vmem>>) dst(%dma_wait3A_326 : memref<4x4096xf32, #tpu.memory_space<hbm>>)
      %dma_start3A_327 = arith.constant 0 : i32
      %dma_start3A_328 = tpu.memref_slice %arg5[%add3A_317, %dma_start3A_327] : memref<64x4xi32, #tpu.memory_space<vmem>> -> memref<1x4xi32, #tpu.memory_space<vmem>>
      %dma_start3A_329 = tpu.memref_squeeze %dma_start3A_328 : memref<1x4xi32, #tpu.memory_space<vmem>> -> memref<4xi32, #tpu.memory_space<vmem>>
      %dma_start3A_330 = arith.constant 0 : i32
      %dma_start3A_331 = arith.constant 0 : i32
      %dma_start3A_332 = tpu.memref_slice %arg2[%dma_start3A_330, %dma_start3A_331] : memref<32000x4096xf32, #tpu.memory_space<hbm>> -> memref<32000x4096xf32, #tpu.memory_space<hbm>>
      tpu.enqueue_indirect_dma source(%dma_start3A_332 : memref<32000x4096xf32, #tpu.memory_space<hbm>>) target(%arg7 : memref<4x4096xf32, #tpu.memory_space<vmem>>) offsets(%dma_start3A_329 : memref<4xi32, #tpu.memory_space<vmem>>) semaphore(%arg13 : memref<!tpu.dma_semaphore, #tpu.memory_space<semaphore_mem>>)
      %add3A_333 = arith.constant 2 : i32
      %add3A_334 = arith.addi %add3A_269, %add3A_333 : i32
      %dma_wait3A_335 = arith.constant 0 : i32
      %dma_wait3A_336 = tpu.memref_slice %arg5[%add3A_334, %dma_wait3A_335] : memref<64x4xi32, #tpu.memory_space<vmem>> -> memref<1x4xi32, #tpu.memory_space<vmem>>
      %dma_wait3A_337 = tpu.memref_squeeze %dma_wait3A_336 : memref<1x4xi32, #tpu.memory_space<vmem>> -> memref<4xi32, #tpu.memory_space<vmem>>
      %dma_wait3A_338 = arith.constant 0 : i32
      %dma_wait3A_339 = arith.constant 0 : i32
      %dma_wait3A_340 = tpu.memref_slice %arg2[%dma_wait3A_338, %dma_wait3A_339] : memref<32000x4096xf32, #tpu.memory_space<hbm>> -> memref<32000x4096xf32, #tpu.memory_space<hbm>>
      tpu.wait_indirect_dma semaphore(%arg15 : memref<!tpu.dma_semaphore, #tpu.memory_space<semaphore_mem>>) src(%dma_wait3A_340 : memref<32000x4096xf32, #tpu.memory_space<hbm>>) dst(%arg9 : memref<4x4096xf32, #tpu.memory_space<vmem>>)
      %mul3A_341 = arith.constant 4 : i32
      %mul3A_342 = arith.muli %add3A_334, %mul3A_341 : i32
      %add3A_343 = arith.addi %mul3A_2, %mul3A_342 : i32
      %dma_start3A_344 = arith.constant 0 : i32
      %dma_start3A_345 = tpu.memref_slice %arg4[%add3A_343, %dma_start3A_344] : memref<8192x4096xf32, #tpu.memory_space<hbm>> -> memref<4x4096xf32, #tpu.memory_space<hbm>>
      %dma_start3A_346 = arith.constant 0 : i32
      %dma_start3A_347 = tpu.memref_slice %arg4[%add3A_343, %dma_start3A_346] : memref<8192x4096xf32, #tpu.memory_space<hbm>> -> memref<4x4096xf32, #tpu.memory_space<hbm>>
      tpu.enqueue_dma source(%arg9 : memref<4x4096xf32, #tpu.memory_space<vmem>>) target(%dma_start3A_347 : memref<4x4096xf32, #tpu.memory_space<hbm>>) target_semaphore(%arg21 : memref<!tpu.dma_semaphore, #tpu.memory_space<semaphore_mem>>)
      %add3A_348 = arith.constant 5 : i32
      %add3A_349 = arith.addi %add3A_334, %add3A_348 : i32
      %sub3A_350 = arith.constant 6 : i32
      %sub3A_351 = arith.subi %add3A_349, %sub3A_350 : i32
      %mul3A_352 = arith.constant 4 : i32
      %mul3A_353 = arith.muli %sub3A_351, %mul3A_352 : i32
      %add3A_354 = arith.addi %mul3A_2, %mul3A_353 : i32
      %dma_wait3A_355 = arith.constant 0 : i32
      %dma_wait3A_356 = tpu.memref_slice %arg4[%add3A_354, %dma_wait3A_355] : memref<8192x4096xf32, #tpu.memory_space<hbm>> -> memref<4x4096xf32, #tpu.memory_space<hbm>>
      %dma_wait3A_357 = arith.constant 0 : i32
      %dma_wait3A_358 = tpu.memref_slice %arg4[%add3A_354, %dma_wait3A_357] : memref<8192x4096xf32, #tpu.memory_space<hbm>> -> memref<4x4096xf32, #tpu.memory_space<hbm>>
      tpu.wait_dma2 semaphore(%arg20 : memref<!tpu.dma_semaphore, #tpu.memory_space<semaphore_mem>>) src(%arg8 : memref<4x4096xf32, #tpu.memory_space<vmem>>) dst(%dma_wait3A_358 : memref<4x4096xf32, #tpu.memory_space<hbm>>)
      %dma_start3A_359 = arith.constant 0 : i32
      %dma_start3A_360 = tpu.memref_slice %arg5[%add3A_349, %dma_start3A_359] : memref<64x4xi32, #tpu.memory_space<vmem>> -> memref<1x4xi32, #tpu.memory_space<vmem>>
      %dma_start3A_361 = tpu.memref_squeeze %dma_start3A_360 : memref<1x4xi32, #tpu.memory_space<vmem>> -> memref<4xi32, #tpu.memory_space<vmem>>
      %dma_start3A_362 = arith.constant 0 : i32
      %dma_start3A_363 = arith.constant 0 : i32
      %dma_start3A_364 = tpu.memref_slice %arg2[%dma_start3A_362, %dma_start3A_363] : memref<32000x4096xf32, #tpu.memory_space<hbm>> -> memref<32000x4096xf32, #tpu.memory_space<hbm>>
      tpu.enqueue_indirect_dma source(%dma_start3A_364 : memref<32000x4096xf32, #tpu.memory_space<hbm>>) target(%arg8 : memref<4x4096xf32, #tpu.memory_space<vmem>>) offsets(%dma_start3A_361 : memref<4xi32, #tpu.memory_space<vmem>>) semaphore(%arg14 : memref<!tpu.dma_semaphore, #tpu.memory_space<semaphore_mem>>)
      %add3A_365 = arith.constant 3 : i32
      %add3A_366 = arith.addi %add3A_269, %add3A_365 : i32
      %dma_wait3A_367 = arith.constant 0 : i32
      %dma_wait3A_368 = tpu.memref_slice %arg5[%add3A_366, %dma_wait3A_367] : memref<64x4xi32, #tpu.memory_space<vmem>> -> memref<1x4xi32, #tpu.memory_space<vmem>>
      %dma_wait3A_369 = tpu.memref_squeeze %dma_wait3A_368 : memref<1x4xi32, #tpu.memory_space<vmem>> -> memref<4xi32, #tpu.memory_space<vmem>>
      %dma_wait3A_370 = arith.constant 0 : i32
      %dma_wait3A_371 = arith.constant 0 : i32
      %dma_wait3A_372 = tpu.memref_slice %arg2[%dma_wait3A_370, %dma_wait3A_371] : memref<32000x4096xf32, #tpu.memory_space<hbm>> -> memref<32000x4096xf32, #tpu.memory_space<hbm>>
      tpu.wait_indirect_dma semaphore(%arg16 : memref<!tpu.dma_semaphore, #tpu.memory_space<semaphore_mem>>) src(%dma_wait3A_372 : memref<32000x4096xf32, #tpu.memory_space<hbm>>) dst(%arg10 : memref<4x4096xf32, #tpu.memory_space<vmem>>)
      %mul3A_373 = arith.constant 4 : i32
      %mul3A_374 = arith.muli %add3A_366, %mul3A_373 : i32
      %add3A_375 = arith.addi %mul3A_2, %mul3A_374 : i32
      %dma_start3A_376 = arith.constant 0 : i32
      %dma_start3A_377 = tpu.memref_slice %arg4[%add3A_375, %dma_start3A_376] : memref<8192x4096xf32, #tpu.memory_space<hbm>> -> memref<4x4096xf32, #tpu.memory_space<hbm>>
      %dma_start3A_378 = arith.constant 0 : i32
      %dma_start3A_379 = tpu.memref_slice %arg4[%add3A_375, %dma_start3A_378] : memref<8192x4096xf32, #tpu.memory_space<hbm>> -> memref<4x4096xf32, #tpu.memory_space<hbm>>
      tpu.enqueue_dma source(%arg10 : memref<4x4096xf32, #tpu.memory_space<vmem>>) target(%dma_start3A_379 : memref<4x4096xf32, #tpu.memory_space<hbm>>) target_semaphore(%arg22 : memref<!tpu.dma_semaphore, #tpu.memory_space<semaphore_mem>>)
      %add3A_380 = arith.constant 5 : i32
      %add3A_381 = arith.addi %add3A_366, %add3A_380 : i32
      %sub3A_382 = arith.constant 6 : i32
      %sub3A_383 = arith.subi %add3A_381, %sub3A_382 : i32
      %mul3A_384 = arith.constant 4 : i32
      %mul3A_385 = arith.muli %sub3A_383, %mul3A_384 : i32
      %add3A_386 = arith.addi %mul3A_2, %mul3A_385 : i32
      %dma_wait3A_387 = arith.constant 0 : i32
      %dma_wait3A_388 = tpu.memref_slice %arg4[%add3A_386, %dma_wait3A_387] : memref<8192x4096xf32, #tpu.memory_space<hbm>> -> memref<4x4096xf32, #tpu.memory_space<hbm>>
      %dma_wait3A_389 = arith.constant 0 : i32
      %dma_wait3A_390 = tpu.memref_slice %arg4[%add3A_386, %dma_wait3A_389] : memref<8192x4096xf32, #tpu.memory_space<hbm>> -> memref<4x4096xf32, #tpu.memory_space<hbm>>
      tpu.wait_dma2 semaphore(%arg21 : memref<!tpu.dma_semaphore, #tpu.memory_space<semaphore_mem>>) src(%arg9 : memref<4x4096xf32, #tpu.memory_space<vmem>>) dst(%dma_wait3A_390 : memref<4x4096xf32, #tpu.memory_space<hbm>>)
      %dma_start3A_391 = arith.constant 0 : i32
      %dma_start3A_392 = tpu.memref_slice %arg5[%add3A_381, %dma_start3A_391] : memref<64x4xi32, #tpu.memory_space<vmem>> -> memref<1x4xi32, #tpu.memory_space<vmem>>
      %dma_start3A_393 = tpu.memref_squeeze %dma_start3A_392 : memref<1x4xi32, #tpu.memory_space<vmem>> -> memref<4xi32, #tpu.memory_space<vmem>>
      %dma_start3A_394 = arith.constant 0 : i32
      %dma_start3A_395 = arith.constant 0 : i32
      %dma_start3A_396 = tpu.memref_slice %arg2[%dma_start3A_394, %dma_start3A_395] : memref<32000x4096xf32, #tpu.memory_space<hbm>> -> memref<32000x4096xf32, #tpu.memory_space<hbm>>
      tpu.enqueue_indirect_dma source(%dma_start3A_396 : memref<32000x4096xf32, #tpu.memory_space<hbm>>) target(%arg9 : memref<4x4096xf32, #tpu.memory_space<vmem>>) offsets(%dma_start3A_393 : memref<4xi32, #tpu.memory_space<vmem>>) semaphore(%arg15 : memref<!tpu.dma_semaphore, #tpu.memory_space<semaphore_mem>>)
      %add3A_397 = arith.constant 4 : i32
      %add3A_398 = arith.addi %add3A_269, %add3A_397 : i32
      %dma_wait3A_399 = arith.constant 0 : i32
      %dma_wait3A_400 = tpu.memref_slice %arg5[%add3A_398, %dma_wait3A_399] : memref<64x4xi32, #tpu.memory_space<vmem>> -> memref<1x4xi32, #tpu.memory_space<vmem>>
      %dma_wait3A_401 = tpu.memref_squeeze %dma_wait3A_400 : memref<1x4xi32, #tpu.memory_space<vmem>> -> memref<4xi32, #tpu.memory_space<vmem>>
      %dma_wait3A_402 = arith.constant 0 : i32
      %dma_wait3A_403 = arith.constant 0 : i32
      %dma_wait3A_404 = tpu.memref_slice %arg2[%dma_wait3A_402, %dma_wait3A_403] : memref<32000x4096xf32, #tpu.memory_space<hbm>> -> memref<32000x4096xf32, #tpu.memory_space<hbm>>
      tpu.wait_indirect_dma semaphore(%arg17 : memref<!tpu.dma_semaphore, #tpu.memory_space<semaphore_mem>>) src(%dma_wait3A_404 : memref<32000x4096xf32, #tpu.memory_space<hbm>>) dst(%arg11 : memref<4x4096xf32, #tpu.memory_space<vmem>>)
      %mul3A_405 = arith.constant 4 : i32
      %mul3A_406 = arith.muli %add3A_398, %mul3A_405 : i32
      %add3A_407 = arith.addi %mul3A_2, %mul3A_406 : i32
      %dma_start3A_408 = arith.constant 0 : i32
      %dma_start3A_409 = tpu.memref_slice %arg4[%add3A_407, %dma_start3A_408] : memref<8192x4096xf32, #tpu.memory_space<hbm>> -> memref<4x4096xf32, #tpu.memory_space<hbm>>
      %dma_start3A_410 = arith.constant 0 : i32
      %dma_start3A_411 = tpu.memref_slice %arg4[%add3A_407, %dma_start3A_410] : memref<8192x4096xf32, #tpu.memory_space<hbm>> -> memref<4x4096xf32, #tpu.memory_space<hbm>>
      tpu.enqueue_dma source(%arg11 : memref<4x4096xf32, #tpu.memory_space<vmem>>) target(%dma_start3A_411 : memref<4x4096xf32, #tpu.memory_space<hbm>>) target_semaphore(%arg23 : memref<!tpu.dma_semaphore, #tpu.memory_space<semaphore_mem>>)
      %add3A_412 = arith.constant 5 : i32
      %add3A_413 = arith.addi %add3A_398, %add3A_412 : i32
      %sub3A_414 = arith.constant 6 : i32
      %sub3A_415 = arith.subi %add3A_413, %sub3A_414 : i32
      %mul3A_416 = arith.constant 4 : i32
      %mul3A_417 = arith.muli %sub3A_415, %mul3A_416 : i32
      %add3A_418 = arith.addi %mul3A_2, %mul3A_417 : i32
      %dma_wait3A_419 = arith.constant 0 : i32
      %dma_wait3A_420 = tpu.memref_slice %arg4[%add3A_418, %dma_wait3A_419] : memref<8192x4096xf32, #tpu.memory_space<hbm>> -> memref<4x4096xf32, #tpu.memory_space<hbm>>
      %dma_wait3A_421 = arith.constant 0 : i32
      %dma_wait3A_422 = tpu.memref_slice %arg4[%add3A_418, %dma_wait3A_421] : memref<8192x4096xf32, #tpu.memory_space<hbm>> -> memref<4x4096xf32, #tpu.memory_space<hbm>>
      tpu.wait_dma2 semaphore(%arg22 : memref<!tpu.dma_semaphore, #tpu.memory_space<semaphore_mem>>) src(%arg10 : memref<4x4096xf32, #tpu.memory_space<vmem>>) dst(%dma_wait3A_422 : memref<4x4096xf32, #tpu.memory_space<hbm>>)
      %dma_start3A_423 = arith.constant 0 : i32
      %dma_start3A_424 = tpu.memref_slice %arg5[%add3A_413, %dma_start3A_423] : memref<64x4xi32, #tpu.memory_space<vmem>> -> memref<1x4xi32, #tpu.memory_space<vmem>>
      %dma_start3A_425 = tpu.memref_squeeze %dma_start3A_424 : memref<1x4xi32, #tpu.memory_space<vmem>> -> memref<4xi32, #tpu.memory_space<vmem>>
      %dma_start3A_426 = arith.constant 0 : i32
      %dma_start3A_427 = arith.constant 0 : i32
      %dma_start3A_428 = tpu.memref_slice %arg2[%dma_start3A_426, %dma_start3A_427] : memref<32000x4096xf32, #tpu.memory_space<hbm>> -> memref<32000x4096xf32, #tpu.memory_space<hbm>>
      tpu.enqueue_indirect_dma source(%dma_start3A_428 : memref<32000x4096xf32, #tpu.memory_space<hbm>>) target(%arg10 : memref<4x4096xf32, #tpu.memory_space<vmem>>) offsets(%dma_start3A_425 : memref<4xi32, #tpu.memory_space<vmem>>) semaphore(%arg16 : memref<!tpu.dma_semaphore, #tpu.memory_space<semaphore_mem>>)
      %add3A_429 = arith.constant 5 : i32
      %add3A_430 = arith.addi %add3A_269, %add3A_429 : i32
      %dma_wait3A_431 = arith.constant 0 : i32
      %dma_wait3A_432 = tpu.memref_slice %arg5[%add3A_430, %dma_wait3A_431] : memref<64x4xi32, #tpu.memory_space<vmem>> -> memref<1x4xi32, #tpu.memory_space<vmem>>
      %dma_wait3A_433 = tpu.memref_squeeze %dma_wait3A_432 : memref<1x4xi32, #tpu.memory_space<vmem>> -> memref<4xi32, #tpu.memory_space<vmem>>
      %dma_wait3A_434 = arith.constant 0 : i32
      %dma_wait3A_435 = arith.constant 0 : i32
      %dma_wait3A_436 = tpu.memref_slice %arg2[%dma_wait3A_434, %dma_wait3A_435] : memref<32000x4096xf32, #tpu.memory_space<hbm>> -> memref<32000x4096xf32, #tpu.memory_space<hbm>>
      tpu.wait_indirect_dma semaphore(%arg12 : memref<!tpu.dma_semaphore, #tpu.memory_space<semaphore_mem>>) src(%dma_wait3A_436 : memref<32000x4096xf32, #tpu.memory_space<hbm>>) dst(%arg6 : memref<4x4096xf32, #tpu.memory_space<vmem>>)
      %mul3A_437 = arith.constant 4 : i32
      %mul3A_438 = arith.muli %add3A_430, %mul3A_437 : i32
      %add3A_439 = arith.addi %mul3A_2, %mul3A_438 : i32
      %dma_start3A_440 = arith.constant 0 : i32
      %dma_start3A_441 = tpu.memref_slice %arg4[%add3A_439, %dma_start3A_440] : memref<8192x4096xf32, #tpu.memory_space<hbm>> -> memref<4x4096xf32, #tpu.memory_space<hbm>>
      %dma_start3A_442 = arith.constant 0 : i32
      %dma_start3A_443 = tpu.memref_slice %arg4[%add3A_439, %dma_start3A_442] : memref<8192x4096xf32, #tpu.memory_space<hbm>> -> memref<4x4096xf32, #tpu.memory_space<hbm>>
      tpu.enqueue_dma source(%arg6 : memref<4x4096xf32, #tpu.memory_space<vmem>>) target(%dma_start3A_443 : memref<4x4096xf32, #tpu.memory_space<hbm>>) target_semaphore(%arg18 : memref<!tpu.dma_semaphore, #tpu.memory_space<semaphore_mem>>)
      %add3A_444 = arith.constant 5 : i32
      %add3A_445 = arith.addi %add3A_430, %add3A_444 : i32
      %sub3A_446 = arith.constant 6 : i32
      %sub3A_447 = arith.subi %add3A_445, %sub3A_446 : i32
      %mul3A_448 = arith.constant 4 : i32
      %mul3A_449 = arith.muli %sub3A_447, %mul3A_448 : i32
      %add3A_450 = arith.addi %mul3A_2, %mul3A_449 : i32
      %dma_wait3A_451 = arith.constant 0 : i32
      %dma_wait3A_452 = tpu.memref_slice %arg4[%add3A_450, %dma_wait3A_451] : memref<8192x4096xf32, #tpu.memory_space<hbm>> -> memref<4x4096xf32, #tpu.memory_space<hbm>>
      %dma_wait3A_453 = arith.constant 0 : i32
      %dma_wait3A_454 = tpu.memref_slice %arg4[%add3A_450, %dma_wait3A_453] : memref<8192x4096xf32, #tpu.memory_space<hbm>> -> memref<4x4096xf32, #tpu.memory_space<hbm>>
      tpu.wait_dma2 semaphore(%arg23 : memref<!tpu.dma_semaphore, #tpu.memory_space<semaphore_mem>>) src(%arg11 : memref<4x4096xf32, #tpu.memory_space<vmem>>) dst(%dma_wait3A_454 : memref<4x4096xf32, #tpu.memory_space<hbm>>)
      %dma_start3A_455 = arith.constant 0 : i32
      %dma_start3A_456 = tpu.memref_slice %arg5[%add3A_445, %dma_start3A_455] : memref<64x4xi32, #tpu.memory_space<vmem>> -> memref<1x4xi32, #tpu.memory_space<vmem>>
      %dma_start3A_457 = tpu.memref_squeeze %dma_start3A_456 : memref<1x4xi32, #tpu.memory_space<vmem>> -> memref<4xi32, #tpu.memory_space<vmem>>
      %dma_start3A_458 = arith.constant 0 : i32
      %dma_start3A_459 = arith.constant 0 : i32
      %dma_start3A_460 = tpu.memref_slice %arg2[%dma_start3A_458, %dma_start3A_459] : memref<32000x4096xf32, #tpu.memory_space<hbm>> -> memref<32000x4096xf32, #tpu.memory_space<hbm>>
      tpu.enqueue_indirect_dma source(%dma_start3A_460 : memref<32000x4096xf32, #tpu.memory_space<hbm>>) target(%arg11 : memref<4x4096xf32, #tpu.memory_space<vmem>>) offsets(%dma_start3A_457 : memref<4xi32, #tpu.memory_space<vmem>>) semaphore(%arg17 : memref<!tpu.dma_semaphore, #tpu.memory_space<semaphore_mem>>)
    }
    %scan3A_59 = arith.constant 9 : i32
    %dma_wait3A_60 = arith.constant 55 : i32
    %dma_wait3A_61 = arith.constant 0 : i32
    %dma_wait3A_62 = tpu.memref_slice %arg5[%dma_wait3A_60, %dma_wait3A_61] : memref<64x4xi32, #tpu.memory_space<vmem>> -> memref<1x4xi32, #tpu.memory_space<vmem>>
    %dma_wait3A_63 = tpu.memref_squeeze %dma_wait3A_62 : memref<1x4xi32, #tpu.memory_space<vmem>> -> memref<4xi32, #tpu.memory_space<vmem>>
    %dma_wait3A_64 = arith.constant 0 : i32
    %dma_wait3A_65 = arith.constant 0 : i32
    %dma_wait3A_66 = tpu.memref_slice %arg2[%dma_wait3A_64, %dma_wait3A_65] : memref<32000x4096xf32, #tpu.memory_space<hbm>> -> memref<32000x4096xf32, #tpu.memory_space<hbm>>
    tpu.wait_indirect_dma semaphore(%arg13 : memref<!tpu.dma_semaphore, #tpu.memory_space<semaphore_mem>>) src(%dma_wait3A_66 : memref<32000x4096xf32, #tpu.memory_space<hbm>>) dst(%arg7 : memref<4x4096xf32, #tpu.memory_space<vmem>>)
    %add3A_67 = arith.constant 220 : i32
    %add3A_68 = arith.addi %mul3A_2, %add3A_67 : i32
    %dma_start3A_69 = arith.constant 0 : i32
    %dma_start3A_70 = tpu.memref_slice %arg4[%add3A_68, %dma_start3A_69] : memref<8192x4096xf32, #tpu.memory_space<hbm>> -> memref<4x4096xf32, #tpu.memory_space<hbm>>
    %dma_start3A_71 = arith.constant 0 : i32
    %dma_start3A_72 = tpu.memref_slice %arg4[%add3A_68, %dma_start3A_71] : memref<8192x4096xf32, #tpu.memory_space<hbm>> -> memref<4x4096xf32, #tpu.memory_space<hbm>>
    tpu.enqueue_dma source(%arg7 : memref<4x4096xf32, #tpu.memory_space<vmem>>) target(%dma_start3A_72 : memref<4x4096xf32, #tpu.memory_space<hbm>>) target_semaphore(%arg19 : memref<!tpu.dma_semaphore, #tpu.memory_space<semaphore_mem>>)
    %add3A_73 = arith.constant 216 : i32
    %add3A_74 = arith.addi %mul3A_2, %add3A_73 : i32
    %dma_wait3A_75 = arith.constant 0 : i32
    %dma_wait3A_76 = tpu.memref_slice %arg4[%add3A_74, %dma_wait3A_75] : memref<8192x4096xf32, #tpu.memory_space<hbm>> -> memref<4x4096xf32, #tpu.memory_space<hbm>>
    %dma_wait3A_77 = arith.constant 0 : i32
    %dma_wait3A_78 = tpu.memref_slice %arg4[%add3A_74, %dma_wait3A_77] : memref<8192x4096xf32, #tpu.memory_space<hbm>> -> memref<4x4096xf32, #tpu.memory_space<hbm>>
    tpu.wait_dma2 semaphore(%arg18 : memref<!tpu.dma_semaphore, #tpu.memory_space<semaphore_mem>>) src(%arg6 : memref<4x4096xf32, #tpu.memory_space<vmem>>) dst(%dma_wait3A_78 : memref<4x4096xf32, #tpu.memory_space<hbm>>)
    %dma_start3A_79 = arith.constant 60 : i32
    %dma_start3A_80 = arith.constant 0 : i32
    %dma_start3A_81 = tpu.memref_slice %arg5[%dma_start3A_79, %dma_start3A_80] : memref<64x4xi32, #tpu.memory_space<vmem>> -> memref<1x4xi32, #tpu.memory_space<vmem>>
    %dma_start3A_82 = tpu.memref_squeeze %dma_start3A_81 : memref<1x4xi32, #tpu.memory_space<vmem>> -> memref<4xi32, #tpu.memory_space<vmem>>
    %dma_start3A_83 = arith.constant 0 : i32
    %dma_start3A_84 = arith.constant 0 : i32
    %dma_start3A_85 = tpu.memref_slice %arg2[%dma_start3A_83, %dma_start3A_84] : memref<32000x4096xf32, #tpu.memory_space<hbm>> -> memref<32000x4096xf32, #tpu.memory_space<hbm>>
    tpu.enqueue_indirect_dma source(%dma_start3A_85 : memref<32000x4096xf32, #tpu.memory_space<hbm>>) target(%arg6 : memref<4x4096xf32, #tpu.memory_space<vmem>>) offsets(%dma_start3A_82 : memref<4xi32, #tpu.memory_space<vmem>>) semaphore(%arg12 : memref<!tpu.dma_semaphore, #tpu.memory_space<semaphore_mem>>)
    %dma_wait3A_86 = arith.constant 56 : i32
    %dma_wait3A_87 = arith.constant 0 : i32
    %dma_wait3A_88 = tpu.memref_slice %arg5[%dma_wait3A_86, %dma_wait3A_87] : memref<64x4xi32, #tpu.memory_space<vmem>> -> memref<1x4xi32, #tpu.memory_space<vmem>>
    %dma_wait3A_89 = tpu.memref_squeeze %dma_wait3A_88 : memref<1x4xi32, #tpu.memory_space<vmem>> -> memref<4xi32, #tpu.memory_space<vmem>>
    %dma_wait3A_90 = arith.constant 0 : i32
    %dma_wait3A_91 = arith.constant 0 : i32
    %dma_wait3A_92 = tpu.memref_slice %arg2[%dma_wait3A_90, %dma_wait3A_91] : memref<32000x4096xf32, #tpu.memory_space<hbm>> -> memref<32000x4096xf32, #tpu.memory_space<hbm>>
    tpu.wait_indirect_dma semaphore(%arg14 : memref<!tpu.dma_semaphore, #tpu.memory_space<semaphore_mem>>) src(%dma_wait3A_92 : memref<32000x4096xf32, #tpu.memory_space<hbm>>) dst(%arg8 : memref<4x4096xf32, #tpu.memory_space<vmem>>)
    %add3A_93 = arith.constant 224 : i32
    %add3A_94 = arith.addi %mul3A_2, %add3A_93 : i32
    %dma_start3A_95 = arith.constant 0 : i32
    %dma_start3A_96 = tpu.memref_slice %arg4[%add3A_94, %dma_start3A_95] : memref<8192x4096xf32, #tpu.memory_space<hbm>> -> memref<4x4096xf32, #tpu.memory_space<hbm>>
    %dma_start3A_97 = arith.constant 0 : i32
    %dma_start3A_98 = tpu.memref_slice %arg4[%add3A_94, %dma_start3A_97] : memref<8192x4096xf32, #tpu.memory_space<hbm>> -> memref<4x4096xf32, #tpu.memory_space<hbm>>
    tpu.enqueue_dma source(%arg8 : memref<4x4096xf32, #tpu.memory_space<vmem>>) target(%dma_start3A_98 : memref<4x4096xf32, #tpu.memory_space<hbm>>) target_semaphore(%arg20 : memref<!tpu.dma_semaphore, #tpu.memory_space<semaphore_mem>>)
    %add3A_99 = arith.constant 220 : i32
    %add3A_100 = arith.addi %mul3A_2, %add3A_99 : i32
    %dma_wait3A_101 = arith.constant 0 : i32
    %dma_wait3A_102 = tpu.memref_slice %arg4[%add3A_100, %dma_wait3A_101] : memref<8192x4096xf32, #tpu.memory_space<hbm>> -> memref<4x4096xf32, #tpu.memory_space<hbm>>
    %dma_wait3A_103 = arith.constant 0 : i32
    %dma_wait3A_104 = tpu.memref_slice %arg4[%add3A_100, %dma_wait3A_103] : memref<8192x4096xf32, #tpu.memory_space<hbm>> -> memref<4x4096xf32, #tpu.memory_space<hbm>>
    tpu.wait_dma2 semaphore(%arg19 : memref<!tpu.dma_semaphore, #tpu.memory_space<semaphore_mem>>) src(%arg7 : memref<4x4096xf32, #tpu.memory_space<vmem>>) dst(%dma_wait3A_104 : memref<4x4096xf32, #tpu.memory_space<hbm>>)
    %dma_start3A_105 = arith.constant 61 : i32
    %dma_start3A_106 = arith.constant 0 : i32
    %dma_start3A_107 = tpu.memref_slice %arg5[%dma_start3A_105, %dma_start3A_106] : memref<64x4xi32, #tpu.memory_space<vmem>> -> memref<1x4xi32, #tpu.memory_space<vmem>>
    %dma_start3A_108 = tpu.memref_squeeze %dma_start3A_107 : memref<1x4xi32, #tpu.memory_space<vmem>> -> memref<4xi32, #tpu.memory_space<vmem>>
    %dma_start3A_109 = arith.constant 0 : i32
    %dma_start3A_110 = arith.constant 0 : i32
    %dma_start3A_111 = tpu.memref_slice %arg2[%dma_start3A_109, %dma_start3A_110] : memref<32000x4096xf32, #tpu.memory_space<hbm>> -> memref<32000x4096xf32, #tpu.memory_space<hbm>>
    tpu.enqueue_indirect_dma source(%dma_start3A_111 : memref<32000x4096xf32, #tpu.memory_space<hbm>>) target(%arg7 : memref<4x4096xf32, #tpu.memory_space<vmem>>) offsets(%dma_start3A_108 : memref<4xi32, #tpu.memory_space<vmem>>) semaphore(%arg13 : memref<!tpu.dma_semaphore, #tpu.memory_space<semaphore_mem>>)
    %dma_wait3A_112 = arith.constant 57 : i32
    %dma_wait3A_113 = arith.constant 0 : i32
    %dma_wait3A_114 = tpu.memref_slice %arg5[%dma_wait3A_112, %dma_wait3A_113] : memref<64x4xi32, #tpu.memory_space<vmem>> -> memref<1x4xi32, #tpu.memory_space<vmem>>
    %dma_wait3A_115 = tpu.memref_squeeze %dma_wait3A_114 : memref<1x4xi32, #tpu.memory_space<vmem>> -> memref<4xi32, #tpu.memory_space<vmem>>
    %dma_wait3A_116 = arith.constant 0 : i32
    %dma_wait3A_117 = arith.constant 0 : i32
    %dma_wait3A_118 = tpu.memref_slice %arg2[%dma_wait3A_116, %dma_wait3A_117] : memref<32000x4096xf32, #tpu.memory_space<hbm>> -> memref<32000x4096xf32, #tpu.memory_space<hbm>>
    tpu.wait_indirect_dma semaphore(%arg15 : memref<!tpu.dma_semaphore, #tpu.memory_space<semaphore_mem>>) src(%dma_wait3A_118 : memref<32000x4096xf32, #tpu.memory_space<hbm>>) dst(%arg9 : memref<4x4096xf32, #tpu.memory_space<vmem>>)
    %add3A_119 = arith.constant 228 : i32
    %add3A_120 = arith.addi %mul3A_2, %add3A_119 : i32
    %dma_start3A_121 = arith.constant 0 : i32
    %dma_start3A_122 = tpu.memref_slice %arg4[%add3A_120, %dma_start3A_121] : memref<8192x4096xf32, #tpu.memory_space<hbm>> -> memref<4x4096xf32, #tpu.memory_space<hbm>>
    %dma_start3A_123 = arith.constant 0 : i32
    %dma_start3A_124 = tpu.memref_slice %arg4[%add3A_120, %dma_start3A_123] : memref<8192x4096xf32, #tpu.memory_space<hbm>> -> memref<4x4096xf32, #tpu.memory_space<hbm>>
    tpu.enqueue_dma source(%arg9 : memref<4x4096xf32, #tpu.memory_space<vmem>>) target(%dma_start3A_124 : memref<4x4096xf32, #tpu.memory_space<hbm>>) target_semaphore(%arg21 : memref<!tpu.dma_semaphore, #tpu.memory_space<semaphore_mem>>)
    %add3A_125 = arith.constant 224 : i32
    %add3A_126 = arith.addi %mul3A_2, %add3A_125 : i32
    %dma_wait3A_127 = arith.constant 0 : i32
    %dma_wait3A_128 = tpu.memref_slice %arg4[%add3A_126, %dma_wait3A_127] : memref<8192x4096xf32, #tpu.memory_space<hbm>> -> memref<4x4096xf32, #tpu.memory_space<hbm>>
    %dma_wait3A_129 = arith.constant 0 : i32
    %dma_wait3A_130 = tpu.memref_slice %arg4[%add3A_126, %dma_wait3A_129] : memref<8192x4096xf32, #tpu.memory_space<hbm>> -> memref<4x4096xf32, #tpu.memory_space<hbm>>
    tpu.wait_dma2 semaphore(%arg20 : memref<!tpu.dma_semaphore, #tpu.memory_space<semaphore_mem>>) src(%arg8 : memref<4x4096xf32, #tpu.memory_space<vmem>>) dst(%dma_wait3A_130 : memref<4x4096xf32, #tpu.memory_space<hbm>>)
    %dma_start3A_131 = arith.constant 62 : i32
    %dma_start3A_132 = arith.constant 0 : i32
    %dma_start3A_133 = tpu.memref_slice %arg5[%dma_start3A_131, %dma_start3A_132] : memref<64x4xi32, #tpu.memory_space<vmem>> -> memref<1x4xi32, #tpu.memory_space<vmem>>
    %dma_start3A_134 = tpu.memref_squeeze %dma_start3A_133 : memref<1x4xi32, #tpu.memory_space<vmem>> -> memref<4xi32, #tpu.memory_space<vmem>>
    %dma_start3A_135 = arith.constant 0 : i32
    %dma_start3A_136 = arith.constant 0 : i32
    %dma_start3A_137 = tpu.memref_slice %arg2[%dma_start3A_135, %dma_start3A_136] : memref<32000x4096xf32, #tpu.memory_space<hbm>> -> memref<32000x4096xf32, #tpu.memory_space<hbm>>
    tpu.enqueue_indirect_dma source(%dma_start3A_137 : memref<32000x4096xf32, #tpu.memory_space<hbm>>) target(%arg8 : memref<4x4096xf32, #tpu.memory_space<vmem>>) offsets(%dma_start3A_134 : memref<4xi32, #tpu.memory_space<vmem>>) semaphore(%arg14 : memref<!tpu.dma_semaphore, #tpu.memory_space<semaphore_mem>>)
    %dma_wait3A_138 = arith.constant 58 : i32
    %dma_wait3A_139 = arith.constant 0 : i32
    %dma_wait3A_140 = tpu.memref_slice %arg5[%dma_wait3A_138, %dma_wait3A_139] : memref<64x4xi32, #tpu.memory_space<vmem>> -> memref<1x4xi32, #tpu.memory_space<vmem>>
    %dma_wait3A_141 = tpu.memref_squeeze %dma_wait3A_140 : memref<1x4xi32, #tpu.memory_space<vmem>> -> memref<4xi32, #tpu.memory_space<vmem>>
    %dma_wait3A_142 = arith.constant 0 : i32
    %dma_wait3A_143 = arith.constant 0 : i32
    %dma_wait3A_144 = tpu.memref_slice %arg2[%dma_wait3A_142, %dma_wait3A_143] : memref<32000x4096xf32, #tpu.memory_space<hbm>> -> memref<32000x4096xf32, #tpu.memory_space<hbm>>
    tpu.wait_indirect_dma semaphore(%arg16 : memref<!tpu.dma_semaphore, #tpu.memory_space<semaphore_mem>>) src(%dma_wait3A_144 : memref<32000x4096xf32, #tpu.memory_space<hbm>>) dst(%arg10 : memref<4x4096xf32, #tpu.memory_space<vmem>>)
    %add3A_145 = arith.constant 232 : i32
    %add3A_146 = arith.addi %mul3A_2, %add3A_145 : i32
    %dma_start3A_147 = arith.constant 0 : i32
    %dma_start3A_148 = tpu.memref_slice %arg4[%add3A_146, %dma_start3A_147] : memref<8192x4096xf32, #tpu.memory_space<hbm>> -> memref<4x4096xf32, #tpu.memory_space<hbm>>
    %dma_start3A_149 = arith.constant 0 : i32
    %dma_start3A_150 = tpu.memref_slice %arg4[%add3A_146, %dma_start3A_149] : memref<8192x4096xf32, #tpu.memory_space<hbm>> -> memref<4x4096xf32, #tpu.memory_space<hbm>>
    tpu.enqueue_dma source(%arg10 : memref<4x4096xf32, #tpu.memory_space<vmem>>) target(%dma_start3A_150 : memref<4x4096xf32, #tpu.memory_space<hbm>>) target_semaphore(%arg22 : memref<!tpu.dma_semaphore, #tpu.memory_space<semaphore_mem>>)
    %add3A_151 = arith.constant 228 : i32
    %add3A_152 = arith.addi %mul3A_2, %add3A_151 : i32
    %dma_wait3A_153 = arith.constant 0 : i32
    %dma_wait3A_154 = tpu.memref_slice %arg4[%add3A_152, %dma_wait3A_153] : memref<8192x4096xf32, #tpu.memory_space<hbm>> -> memref<4x4096xf32, #tpu.memory_space<hbm>>
    %dma_wait3A_155 = arith.constant 0 : i32
    %dma_wait3A_156 = tpu.memref_slice %arg4[%add3A_152, %dma_wait3A_155] : memref<8192x4096xf32, #tpu.memory_space<hbm>> -> memref<4x4096xf32, #tpu.memory_space<hbm>>
    tpu.wait_dma2 semaphore(%arg21 : memref<!tpu.dma_semaphore, #tpu.memory_space<semaphore_mem>>) src(%arg9 : memref<4x4096xf32, #tpu.memory_space<vmem>>) dst(%dma_wait3A_156 : memref<4x4096xf32, #tpu.memory_space<hbm>>)
    %dma_start3A_157 = arith.constant 63 : i32
    %dma_start3A_158 = arith.constant 0 : i32
    %dma_start3A_159 = tpu.memref_slice %arg5[%dma_start3A_157, %dma_start3A_158] : memref<64x4xi32, #tpu.memory_space<vmem>> -> memref<1x4xi32, #tpu.memory_space<vmem>>
    %dma_start3A_160 = tpu.memref_squeeze %dma_start3A_159 : memref<1x4xi32, #tpu.memory_space<vmem>> -> memref<4xi32, #tpu.memory_space<vmem>>
    %dma_start3A_161 = arith.constant 0 : i32
    %dma_start3A_162 = arith.constant 0 : i32
    %dma_start3A_163 = tpu.memref_slice %arg2[%dma_start3A_161, %dma_start3A_162] : memref<32000x4096xf32, #tpu.memory_space<hbm>> -> memref<32000x4096xf32, #tpu.memory_space<hbm>>
    tpu.enqueue_indirect_dma source(%dma_start3A_163 : memref<32000x4096xf32, #tpu.memory_space<hbm>>) target(%arg9 : memref<4x4096xf32, #tpu.memory_space<vmem>>) offsets(%dma_start3A_160 : memref<4xi32, #tpu.memory_space<vmem>>) semaphore(%arg15 : memref<!tpu.dma_semaphore, #tpu.memory_space<semaphore_mem>>)
    %dma_wait3A_164 = arith.constant 59 : i32
    %dma_wait3A_165 = arith.constant 0 : i32
    %dma_wait3A_166 = tpu.memref_slice %arg5[%dma_wait3A_164, %dma_wait3A_165] : memref<64x4xi32, #tpu.memory_space<vmem>> -> memref<1x4xi32, #tpu.memory_space<vmem>>
    %dma_wait3A_167 = tpu.memref_squeeze %dma_wait3A_166 : memref<1x4xi32, #tpu.memory_space<vmem>> -> memref<4xi32, #tpu.memory_space<vmem>>
    %dma_wait3A_168 = arith.constant 0 : i32
    %dma_wait3A_169 = arith.constant 0 : i32
    %dma_wait3A_170 = tpu.memref_slice %arg2[%dma_wait3A_168, %dma_wait3A_169] : memref<32000x4096xf32, #tpu.memory_space<hbm>> -> memref<32000x4096xf32, #tpu.memory_space<hbm>>
    tpu.wait_indirect_dma semaphore(%arg17 : memref<!tpu.dma_semaphore, #tpu.memory_space<semaphore_mem>>) src(%dma_wait3A_170 : memref<32000x4096xf32, #tpu.memory_space<hbm>>) dst(%arg11 : memref<4x4096xf32, #tpu.memory_space<vmem>>)
    %add3A_171 = arith.constant 236 : i32
    %add3A_172 = arith.addi %mul3A_2, %add3A_171 : i32
    %dma_start3A_173 = arith.constant 0 : i32
    %dma_start3A_174 = tpu.memref_slice %arg4[%add3A_172, %dma_start3A_173] : memref<8192x4096xf32, #tpu.memory_space<hbm>> -> memref<4x4096xf32, #tpu.memory_space<hbm>>
    %dma_start3A_175 = arith.constant 0 : i32
    %dma_start3A_176 = tpu.memref_slice %arg4[%add3A_172, %dma_start3A_175] : memref<8192x4096xf32, #tpu.memory_space<hbm>> -> memref<4x4096xf32, #tpu.memory_space<hbm>>
    tpu.enqueue_dma source(%arg11 : memref<4x4096xf32, #tpu.memory_space<vmem>>) target(%dma_start3A_176 : memref<4x4096xf32, #tpu.memory_space<hbm>>) target_semaphore(%arg23 : memref<!tpu.dma_semaphore, #tpu.memory_space<semaphore_mem>>)
    %dma_wait3A_177 = arith.constant 60 : i32
    %dma_wait3A_178 = arith.constant 0 : i32
    %dma_wait3A_179 = tpu.memref_slice %arg5[%dma_wait3A_177, %dma_wait3A_178] : memref<64x4xi32, #tpu.memory_space<vmem>> -> memref<1x4xi32, #tpu.memory_space<vmem>>
    %dma_wait3A_180 = tpu.memref_squeeze %dma_wait3A_179 : memref<1x4xi32, #tpu.memory_space<vmem>> -> memref<4xi32, #tpu.memory_space<vmem>>
    %dma_wait3A_181 = arith.constant 0 : i32
    %dma_wait3A_182 = arith.constant 0 : i32
    %dma_wait3A_183 = tpu.memref_slice %arg2[%dma_wait3A_181, %dma_wait3A_182] : memref<32000x4096xf32, #tpu.memory_space<hbm>> -> memref<32000x4096xf32, #tpu.memory_space<hbm>>
    tpu.wait_indirect_dma semaphore(%arg12 : memref<!tpu.dma_semaphore, #tpu.memory_space<semaphore_mem>>) src(%dma_wait3A_183 : memref<32000x4096xf32, #tpu.memory_space<hbm>>) dst(%arg6 : memref<4x4096xf32, #tpu.memory_space<vmem>>)
    %add3A_184 = arith.constant 240 : i32
    %add3A_185 = arith.addi %mul3A_2, %add3A_184 : i32
    %dma_start3A_186 = arith.constant 0 : i32
    %dma_start3A_187 = tpu.memref_slice %arg4[%add3A_185, %dma_start3A_186] : memref<8192x4096xf32, #tpu.memory_space<hbm>> -> memref<4x4096xf32, #tpu.memory_space<hbm>>
    %dma_start3A_188 = arith.constant 0 : i32
    %dma_start3A_189 = tpu.memref_slice %arg4[%add3A_185, %dma_start3A_188] : memref<8192x4096xf32, #tpu.memory_space<hbm>> -> memref<4x4096xf32, #tpu.memory_space<hbm>>
    tpu.enqueue_dma source(%arg6 : memref<4x4096xf32, #tpu.memory_space<vmem>>) target(%dma_start3A_189 : memref<4x4096xf32, #tpu.memory_space<hbm>>) target_semaphore(%arg18 : memref<!tpu.dma_semaphore, #tpu.memory_space<semaphore_mem>>)
    %dma_wait3A_190 = arith.constant 61 : i32
    %dma_wait3A_191 = arith.constant 0 : i32
    %dma_wait3A_192 = tpu.memref_slice %arg5[%dma_wait3A_190, %dma_wait3A_191] : memref<64x4xi32, #tpu.memory_space<vmem>> -> memref<1x4xi32, #tpu.memory_space<vmem>>
    %dma_wait3A_193 = tpu.memref_squeeze %dma_wait3A_192 : memref<1x4xi32, #tpu.memory_space<vmem>> -> memref<4xi32, #tpu.memory_space<vmem>>
    %dma_wait3A_194 = arith.constant 0 : i32
    %dma_wait3A_195 = arith.constant 0 : i32
    %dma_wait3A_196 = tpu.memref_slice %arg2[%dma_wait3A_194, %dma_wait3A_195] : memref<32000x4096xf32, #tpu.memory_space<hbm>> -> memref<32000x4096xf32, #tpu.memory_space<hbm>>
    tpu.wait_indirect_dma semaphore(%arg13 : memref<!tpu.dma_semaphore, #tpu.memory_space<semaphore_mem>>) src(%dma_wait3A_196 : memref<32000x4096xf32, #tpu.memory_space<hbm>>) dst(%arg7 : memref<4x4096xf32, #tpu.memory_space<vmem>>)
    %add3A_197 = arith.constant 244 : i32
    %add3A_198 = arith.addi %mul3A_2, %add3A_197 : i32
    %dma_start3A_199 = arith.constant 0 : i32
    %dma_start3A_200 = tpu.memref_slice %arg4[%add3A_198, %dma_start3A_199] : memref<8192x4096xf32, #tpu.memory_space<hbm>> -> memref<4x4096xf32, #tpu.memory_space<hbm>>
    %dma_start3A_201 = arith.constant 0 : i32
    %dma_start3A_202 = tpu.memref_slice %arg4[%add3A_198, %dma_start3A_201] : memref<8192x4096xf32, #tpu.memory_space<hbm>> -> memref<4x4096xf32, #tpu.memory_space<hbm>>
    tpu.enqueue_dma source(%arg7 : memref<4x4096xf32, #tpu.memory_space<vmem>>) target(%dma_start3A_202 : memref<4x4096xf32, #tpu.memory_space<hbm>>) target_semaphore(%arg19 : memref<!tpu.dma_semaphore, #tpu.memory_space<semaphore_mem>>)
    %dma_wait3A_203 = arith.constant 62 : i32
    %dma_wait3A_204 = arith.constant 0 : i32
    %dma_wait3A_205 = tpu.memref_slice %arg5[%dma_wait3A_203, %dma_wait3A_204] : memref<64x4xi32, #tpu.memory_space<vmem>> -> memref<1x4xi32, #tpu.memory_space<vmem>>
    %dma_wait3A_206 = tpu.memref_squeeze %dma_wait3A_205 : memref<1x4xi32, #tpu.memory_space<vmem>> -> memref<4xi32, #tpu.memory_space<vmem>>
    %dma_wait3A_207 = arith.constant 0 : i32
    %dma_wait3A_208 = arith.constant 0 : i32
    %dma_wait3A_209 = tpu.memref_slice %arg2[%dma_wait3A_207, %dma_wait3A_208] : memref<32000x4096xf32, #tpu.memory_space<hbm>> -> memref<32000x4096xf32, #tpu.memory_space<hbm>>
    tpu.wait_indirect_dma semaphore(%arg14 : memref<!tpu.dma_semaphore, #tpu.memory_space<semaphore_mem>>) src(%dma_wait3A_209 : memref<32000x4096xf32, #tpu.memory_space<hbm>>) dst(%arg8 : memref<4x4096xf32, #tpu.memory_space<vmem>>)
    %add3A_210 = arith.constant 248 : i32
    %add3A_211 = arith.addi %mul3A_2, %add3A_210 : i32
    %dma_start3A_212 = arith.constant 0 : i32
    %dma_start3A_213 = tpu.memref_slice %arg4[%add3A_211, %dma_start3A_212] : memref<8192x4096xf32, #tpu.memory_space<hbm>> -> memref<4x4096xf32, #tpu.memory_space<hbm>>
    %dma_start3A_214 = arith.constant 0 : i32
    %dma_start3A_215 = tpu.memref_slice %arg4[%add3A_211, %dma_start3A_214] : memref<8192x4096xf32, #tpu.memory_space<hbm>> -> memref<4x4096xf32, #tpu.memory_space<hbm>>
    tpu.enqueue_dma source(%arg8 : memref<4x4096xf32, #tpu.memory_space<vmem>>) target(%dma_start3A_215 : memref<4x4096xf32, #tpu.memory_space<hbm>>) target_semaphore(%arg20 : memref<!tpu.dma_semaphore, #tpu.memory_space<semaphore_mem>>)
    %dma_wait3A_216 = arith.constant 63 : i32
    %dma_wait3A_217 = arith.constant 0 : i32
    %dma_wait3A_218 = tpu.memref_slice %arg5[%dma_wait3A_216, %dma_wait3A_217] : memref<64x4xi32, #tpu.memory_space<vmem>> -> memref<1x4xi32, #tpu.memory_space<vmem>>
    %dma_wait3A_219 = tpu.memref_squeeze %dma_wait3A_218 : memref<1x4xi32, #tpu.memory_space<vmem>> -> memref<4xi32, #tpu.memory_space<vmem>>
    %dma_wait3A_220 = arith.constant 0 : i32
    %dma_wait3A_221 = arith.constant 0 : i32
    %dma_wait3A_222 = tpu.memref_slice %arg2[%dma_wait3A_220, %dma_wait3A_221] : memref<32000x4096xf32, #tpu.memory_space<hbm>> -> memref<32000x4096xf32, #tpu.memory_space<hbm>>
    tpu.wait_indirect_dma semaphore(%arg15 : memref<!tpu.dma_semaphore, #tpu.memory_space<semaphore_mem>>) src(%dma_wait3A_222 : memref<32000x4096xf32, #tpu.memory_space<hbm>>) dst(%arg9 : memref<4x4096xf32, #tpu.memory_space<vmem>>)
    %add3A_223 = arith.constant 252 : i32
    %add3A_224 = arith.addi %mul3A_2, %add3A_223 : i32
    %dma_start3A_225 = arith.constant 0 : i32
    %dma_start3A_226 = tpu.memref_slice %arg4[%add3A_224, %dma_start3A_225] : memref<8192x4096xf32, #tpu.memory_space<hbm>> -> memref<4x4096xf32, #tpu.memory_space<hbm>>
    %dma_start3A_227 = arith.constant 0 : i32
    %dma_start3A_228 = tpu.memref_slice %arg4[%add3A_224, %dma_start3A_227] : memref<8192x4096xf32, #tpu.memory_space<hbm>> -> memref<4x4096xf32, #tpu.memory_space<hbm>>
    tpu.enqueue_dma source(%arg9 : memref<4x4096xf32, #tpu.memory_space<vmem>>) target(%dma_start3A_228 : memref<4x4096xf32, #tpu.memory_space<hbm>>) target_semaphore(%arg21 : memref<!tpu.dma_semaphore, #tpu.memory_space<semaphore_mem>>)
    %add3A_229 = arith.constant 232 : i32
    %add3A_230 = arith.addi %mul3A_2, %add3A_229 : i32
    %dma_wait3A_231 = arith.constant 0 : i32
    %dma_wait3A_232 = tpu.memref_slice %arg4[%add3A_230, %dma_wait3A_231] : memref<8192x4096xf32, #tpu.memory_space<hbm>> -> memref<4x4096xf32, #tpu.memory_space<hbm>>
    %dma_wait3A_233 = arith.constant 0 : i32
    %dma_wait3A_234 = tpu.memref_slice %arg4[%add3A_230, %dma_wait3A_233] : memref<8192x4096xf32, #tpu.memory_space<hbm>> -> memref<4x4096xf32, #tpu.memory_space<hbm>>
    tpu.wait_dma2 semaphore(%arg22 : memref<!tpu.dma_semaphore, #tpu.memory_space<semaphore_mem>>) src(%arg10 : memref<4x4096xf32, #tpu.memory_space<vmem>>) dst(%dma_wait3A_234 : memref<4x4096xf32, #tpu.memory_space<hbm>>)
    %add3A_235 = arith.constant 236 : i32
    %add3A_236 = arith.addi %mul3A_2, %add3A_235 : i32
    %dma_wait3A_237 = arith.constant 0 : i32
    %dma_wait3A_238 = tpu.memref_slice %arg4[%add3A_236, %dma_wait3A_237] : memref<8192x4096xf32, #tpu.memory_space<hbm>> -> memref<4x4096xf32, #tpu.memory_space<hbm>>
    %dma_wait3A_239 = arith.constant 0 : i32
    %dma_wait3A_240 = tpu.memref_slice %arg4[%add3A_236, %dma_wait3A_239] : memref<8192x4096xf32, #tpu.memory_space<hbm>> -> memref<4x4096xf32, #tpu.memory_space<hbm>>
    tpu.wait_dma2 semaphore(%arg23 : memref<!tpu.dma_semaphore, #tpu.memory_space<semaphore_mem>>) src(%arg11 : memref<4x4096xf32, #tpu.memory_space<vmem>>) dst(%dma_wait3A_240 : memref<4x4096xf32, #tpu.memory_space<hbm>>)
    %add3A_241 = arith.constant 240 : i32
    %add3A_242 = arith.addi %mul3A_2, %add3A_241 : i32
    %dma_wait3A_243 = arith.constant 0 : i32
    %dma_wait3A_244 = tpu.memref_slice %arg4[%add3A_242, %dma_wait3A_243] : memref<8192x4096xf32, #tpu.memory_space<hbm>> -> memref<4x4096xf32, #tpu.memory_space<hbm>>
    %dma_wait3A_245 = arith.constant 0 : i32
    %dma_wait3A_246 = tpu.memref_slice %arg4[%add3A_242, %dma_wait3A_245] : memref<8192x4096xf32, #tpu.memory_space<hbm>> -> memref<4x4096xf32, #tpu.memory_space<hbm>>
    tpu.wait_dma2 semaphore(%arg18 : memref<!tpu.dma_semaphore, #tpu.memory_space<semaphore_mem>>) src(%arg6 : memref<4x4096xf32, #tpu.memory_space<vmem>>) dst(%dma_wait3A_246 : memref<4x4096xf32, #tpu.memory_space<hbm>>)
    %add3A_247 = arith.constant 244 : i32
    %add3A_248 = arith.addi %mul3A_2, %add3A_247 : i32
    %dma_wait3A_249 = arith.constant 0 : i32
    %dma_wait3A_250 = tpu.memref_slice %arg4[%add3A_248, %dma_wait3A_249] : memref<8192x4096xf32, #tpu.memory_space<hbm>> -> memref<4x4096xf32, #tpu.memory_space<hbm>>
    %dma_wait3A_251 = arith.constant 0 : i32
    %dma_wait3A_252 = tpu.memref_slice %arg4[%add3A_248, %dma_wait3A_251] : memref<8192x4096xf32, #tpu.memory_space<hbm>> -> memref<4x4096xf32, #tpu.memory_space<hbm>>
    tpu.wait_dma2 semaphore(%arg19 : memref<!tpu.dma_semaphore, #tpu.memory_space<semaphore_mem>>) src(%arg7 : memref<4x4096xf32, #tpu.memory_space<vmem>>) dst(%dma_wait3A_252 : memref<4x4096xf32, #tpu.memory_space<hbm>>)
    %add3A_253 = arith.constant 248 : i32
    %add3A_254 = arith.addi %mul3A_2, %add3A_253 : i32
    %dma_wait3A_255 = arith.constant 0 : i32
    %dma_wait3A_256 = tpu.memref_slice %arg4[%add3A_254, %dma_wait3A_255] : memref<8192x4096xf32, #tpu.memory_space<hbm>> -> memref<4x4096xf32, #tpu.memory_space<hbm>>
    %dma_wait3A_257 = arith.constant 0 : i32
    %dma_wait3A_258 = tpu.memref_slice %arg4[%add3A_254, %dma_wait3A_257] : memref<8192x4096xf32, #tpu.memory_space<hbm>> -> memref<4x4096xf32, #tpu.memory_space<hbm>>
    tpu.wait_dma2 semaphore(%arg20 : memref<!tpu.dma_semaphore, #tpu.memory_space<semaphore_mem>>) src(%arg8 : memref<4x4096xf32, #tpu.memory_space<vmem>>) dst(%dma_wait3A_258 : memref<4x4096xf32, #tpu.memory_space<hbm>>)
    %add3A_259 = arith.constant 252 : i32
    %add3A_260 = arith.addi %mul3A_2, %add3A_259 : i32
    %dma_wait3A_261 = arith.constant 0 : i32
    %dma_wait3A_262 = tpu.memref_slice %arg4[%add3A_260, %dma_wait3A_261] : memref<8192x4096xf32, #tpu.memory_space<hbm>> -> memref<4x4096xf32, #tpu.memory_space<hbm>>
    %dma_wait3A_263 = arith.constant 0 : i32
    %dma_wait3A_264 = tpu.memref_slice %arg4[%add3A_260, %dma_wait3A_263] : memref<8192x4096xf32, #tpu.memory_space<hbm>> -> memref<4x4096xf32, #tpu.memory_space<hbm>>
    tpu.wait_dma2 semaphore(%arg21 : memref<!tpu.dma_semaphore, #tpu.memory_space<semaphore_mem>>) src(%arg9 : memref<4x4096xf32, #tpu.memory_space<vmem>>) dst(%dma_wait3A_264 : memref<4x4096xf32, #tpu.memory_space<hbm>>)
    return
  }
}

</mosaic_0001>

<sc_bundles>
// kernel: _embedding_lookup.3.cloned.1.call-start
scs
__scs_entry_jumppad:
0x0: {  	(pc) =	sbr.rel $0x88, $3  }
0x1: {  	(tag) =	ssettag $0x0;
	lr =	simm.s32 $0x1  }
0x2: {  	[smem:$0x3F9F] =	sst lr;
	_ =	strace $0xD0000000  }
0x3: {  	_ = 	snop  }
0x4: {  	_ = 	snop  }
0x5: {  	_ = 	snop  }
0x6: {  	_ = 	snop  }
0x7: {  	_ = 	snop  }
__scs_overlays_trampoline_lowered:
0x8: {  	[smem:$0x3FAE] =	sst s0  }
0x9: {  	[smem:$0x3FAF] =	sst s1  }
0xa: {  	[smem:$0x3FB0] =	sst s2  }
0xb: {  	[smem:$0x3FB1] =	sst s3  }
0xc: {  	[smem:$0x3FB2] =	sst s4  }
0xd: {  	[smem:$0x3FB3] =	sst s5  }
0xe: {  	[smem:$0x3FB4] =	sst s6  }
0xf: {  	[smem:$0x3FB5] =	sst s7  }
0x10: {  	[smem:$0x3FB6] =	sst s8  }
0x11: {  	[smem:$0x3FB7] =	sst s9;
	s0 =	simm.s32 @!p0 $0x0  }
0x12: {  	s1 =	sld [smem:$0x3F9D];
	s0 =	simm.s32 @p0 $0x1  }
0x13: {  	[smem:$0x3FB8] =	sst s0;
	s0 =	simm.s32 @!p1 $0x0  }
0x14: {  	s2 =	sld [smem:$0x3F9C];
	s0 =	simm.s32 @p1 $0x1  }
0x15: {  	[smem:$0x3FB9] =	sst s0;
	s0 =	simm.s32 @!p2 $0x0  }
0x16: {  	s3 =	sld [smem:$0x3FDB];
	s0 =	simm.s32 @p2 $0x1  }
0x17: {  	s4 =	simm.s32 $0x1BF5;
	[smem:$0x3FBB] =	sst s0  }
0x18: {  	s0 =	sld [smem:$0x3F9E];
	_ =	swait.ge [sflag:s4], $0x0  }
0x19: {  	s7 =	sld [smem:$0x3F9F]  }
0x1a: {  	s8 =	sadd.s32 $0xFFFFE003, lr  }
0x1b: {  	s9 =	sadd.s32 $0xFFFFFEF7, lr;
	s5 =	simm.s32 $0xFFFFFFFF;
	p2 =	slt.u32 s8, $0xFFFFF086  }
0x1c: {  	p1 =	slt.u32 s9, $0xF7A;
	s5 =	simm.s32 @!p2 $0x0  }
0x1d: {  	s5 =	simm.s32 @p1 $0x1;
	p0 =	seq.s32 s7, s2  }
0x1e: {  	s7 =	smul.u32 @!p0 $0xF7A, s2;
	p2 =	seq.s32 @!p0 s5, $0x0  }
0x1f: {  	s9 =	smul.u32 $0xF7A, s1;
	s8 =	simm.s32 @!p0 $0x1BF5;
	p2 =	por !p2, p0  }
0x20: {  	[sflag:s8] =	ssyncset.s32 @!p0 $0xFFFFF086;
	s6 =	sadd.s32 @!p0 s3, s7;
	s7 =	simm.s32 @!p0 $0x108  }
0x21: {  	s3 =	sadd.s32 s3, s9;
	s6 =	sadd.s32 @!p0 $0x88, s6;
	s7 =	simm.s32 @p2 $0x1082  }
0x22: {  	[simem:s7], [sflag:s8] =	dma.local @!p0 [hbm:s6], $0xF7A  }
0x23: {  	s9 =	sor.u32 $0xD0000000, s2;
	s6 =	simm.s32 $0x108;
	_ =	swait.ge @!p0 [sflag:s8], $0x0  }
0x24: {  	s3 =	sadd.s32 $0x88, s3;
	s6 =	simm.s32 @!p1 $0x1082;
	[sflag:s4] =	ssyncset.s32 $0xFFFFF086  }
0x25: {  	[simem:s6], [sflag:s4] =	dma.local [hbm:s3], $0xF7A  }
0x26: {  	[smem:$0x3F9F] =	sst s1;
	(tag) =	ssettag s2;
	_ =	strace s9  }
0x27: {  	s1 =	sld [smem:$0x3FAF]  }
0x28: {  	s2 =	sld [smem:$0x3FB0]  }
0x29: {  	s4 =	sld [smem:$0x3FB2]  }
0x2a: {  	p0 =	seq.s32 s5, $0x0;
	s5 =	sld [smem:$0x3FB3]  }
0x2b: {  	s6 =	sld [smem:$0x3FB4]  }
0x2c: {  	s7 =	sld [smem:$0x3FB5]  }
0x2d: {  	s3 =	simm.s32 $0x108;
	s8 =	sld [smem:$0x3FB6]  }
0x2e: {  	s3 =	simm.s32 @!p0 $0x1082;
	s9 =	sld [smem:$0x3FB7]  }
0x2f: {  	lr =	sadd.s32 s0, s3;
	s0 =	sld [smem:$0x3FAE]  }
0x30: {  	s3 =	sld [smem:$0x3FB1]  }
0x31: {  	[smem:$0x3FBA] =	sst s10  }
0x32: {  	s10 =	sld [smem:$0x3FB8];
	_ =	sdelay $0x3  }
0x33: {  	p0 =	seq.s32 s10, $0x1;
	s10 =	sld [smem:$0x3FBA];
	_ =	sdelay $0x3  }
0x34: {  	[smem:$0x3FBA] =	sst s10  }
0x35: {  	s10 =	sld [smem:$0x3FB9];
	_ =	sdelay $0x3  }
0x36: {  	p1 =	seq.s32 s10, $0x1;
	s10 =	sld [smem:$0x3FBA];
	_ =	sdelay $0x3  }
0x37: {  	[smem:$0x3FBA] =	sst s10  }
0x38: {  	s10 =	sld [smem:$0x3FBB]  }
0x39: {  	_ = 	snop;
	(pc) =	sbr.ind lr, $3  }
0x3a: {  	_ = 	snop  }
0x3b: {  	_ = 	snop  }
0x3c: {  	p2 =	seq.s32 s10, $0x1;
	s10 =	sld [smem:$0x3FBA]  }
0x3d: {  	_ =	shalt  }
0x3e: {  	_ =	shalt  }
0x3f: {  	_ =	shalt  }
0x40: {  	_ =	shalt  }
0x41: {  	_ =	shalt  }
0x42: {  	_ =	shalt  }
0x43: {  	_ =	shalt  }
0x44: {  	_ =	shalt  }
0x45: {  	_ =	shalt  }
0x46: {  	_ =	shalt  }
0x47: {  	_ =	shalt  }
0x48: {  	_ =	shalt  }
0x49: {  	_ =	shalt  }
0x4a: {  	_ =	shalt  }
0x4b: {  	_ =	shalt  }
0x4c: {  	_ =	shalt  }
0x4d: {  	_ =	shalt  }
0x4e: {  	_ =	shalt  }
0x4f: {  	_ =	shalt  }
0x50: {  	_ =	shalt  }
0x51: {  	_ =	shalt  }
0x52: {  	_ =	shalt  }
0x53: {  	_ =	shalt  }
0x54: {  	_ =	shalt  }
0x55: {  	_ =	shalt  }
0x56: {  	_ =	shalt  }
0x57: {  	_ =	shalt  }
0x58: {  	_ =	shalt  }
0x59: {  	_ =	shalt  }
0x5a: {  	_ =	shalt  }
0x5b: {  	_ =	shalt  }
0x5c: {  	_ =	shalt  }
0x5d: {  	_ =	shalt  }
0x5e: {  	_ =	shalt  }
0x5f: {  	_ =	shalt  }
0x60: {  	_ =	shalt  }
0x61: {  	_ =	shalt  }
0x62: {  	_ =	shalt  }
0x63: {  	_ =	shalt  }
0x64: {  	_ =	shalt  }
0x65: {  	_ =	shalt  }
0x66: {  	_ =	shalt  }
0x67: {  	_ =	shalt  }
0x68: {  	_ =	shalt  }
0x69: {  	_ =	shalt  }
0x6a: {  	_ =	shalt  }
0x6b: {  	_ =	shalt  }
0x6c: {  	_ =	shalt  }
0x6d: {  	_ =	shalt  }
0x6e: {  	_ =	shalt  }
0x6f: {  	_ =	shalt  }
0x70: {  	_ =	shalt  }
0x71: {  	_ =	shalt  }
0x72: {  	_ =	shalt  }
0x73: {  	_ =	shalt  }
0x74: {  	_ =	shalt  }
0x75: {  	_ =	shalt  }
0x76: {  	_ =	shalt  }
0x77: {  	_ =	shalt  }
0x78: {  	_ =	shalt  }
0x79: {  	_ =	shalt  }
0x7a: {  	_ =	shalt  }
0x7b: {  	_ =	shalt  }
0x7c: {  	_ =	shalt  }
0x7d: {  	_ =	shalt  }
0x7e: {  	_ =	shalt  }
0x7f: {  	_ =	shalt  }
0x80: {  	_ =	shalt  }
0x81: {  	_ =	shalt  }
0x82: {  	_ =	shalt  }
0x83: {  	_ =	shalt  }
0x84: {  	_ =	shalt  }
0x85: {  	_ =	shalt  }
0x86: {  	_ =	shalt  }
0x87: {  	_ =	shalt  }
.Lfunc_end0:
.L_simem_size_0:
called_computation_lowered:
.L_overlay_start_0:
0x88: {  	s2 =	sld [smem:$0x3FD9]  }
0x89: {  	s3 =	sld [smem:$0x3FFE];
	_ =	sdelay $0x1  }
0x8a: {  	s1 =	srdreg.scid  }
0x8b: {  	s0 =	sand.u32 $0x1, s1  }
0x8c: {  	s17 =	sshll.u32 s0, $0xA;
	s2 =	sadd.s32 s3, s2  }
0x8d: {  	s2 =	sadd.s32 s2, s17  }
0x8e: {  	[smem:$0x3FC6] =	sst s2  }
0x8f: {  	_ = 	snop  }
0x90: {  	s2 =	sld [smem:$0x3FC8]  }
0x91: {  	s18 =	sld [smem:$0x3FD0];
	(tm) =	ssettm $0x1  }
0x92: {  	s4 =	sld [smem:$0x3FFB];
	_ =	sdelay $0x3  }
0x93: {  	_ =	strace s4  }
0x94: {  	s4 =	sld [smem:$0x3FFC];
	_ =	sdelay $0x3  }
0x95: {  	_ =	strace s4  }
0x96: {  	s4 =	sld [smem:$0x3FFD];
	_ =	sdelay $0x3  }
0x97: {  	_ =	strace s4  }
0x98: {  	_ =	strace $0x8FFFFFFF  }
0x99: {  	s19 =	sld [smem:$0x3FDB];
	_ =	sdelay $0x1  }
0x9a: {  	s5 =	simm.s32 $_scs_section_size  }
0x9b: {  	s6 =	simm.s32 $_size__tile_overlayer_lowered;
	s7 =	simm.s32 $_tile_overlayer_lowered  }
0x9c: {  	s22 =	simm.s32 $0x1BFF;
	s21 =	sshll.u32 s7, $0x1;
	s4 =	sadd.s32 s5, s19  }
0x9d: {  	s8 =	simm.s32 $0x0;
	s20 =	sshll.u32 s6, $0x1;
	s6 =	sadd.s32 s21, s4  }
0x9e: {  	[timem:s8], [sflag:s22] =	dma.local [hbm:s6], s20  }
0x9f: {  	_ =	swait.ge [sflag:s22], s20  }
0xa0: {  	s5 =	ssub.s32 $0x0, s20;
	[sflag:s22] =	ssyncset.done $0x0  }
0xa1: {  	[sflag:s22] =	ssyncadd.s32 s5;
	_ =	sdelay $0x1  }
0xa2: {  	s23 =	simm.s32 $0x1B8B  }
0xa3: {  	_ =	swait.ge [sflag:s23], $0x1  }
0xa4: {  	[sflag:s23] =	ssyncset.done $0x0  }
0xa5: {  	s25 =	simm.s32 $0x1B8E;
	s24 =	sld [smem:$0x3FFE];
	[sflag:s23] =	ssyncadd.s32 $0xFFFFFFFF  }
0xa6: {  	s26 =	simm.s32 $execute0_lowered;
	[smem:$0x3FD2] =	sst s25  }
0xa7: {  	s6 =	sshll.u32 s26, $0x1;
	_ =	strace $0x80000046;
	[dreg:$0x1] =	wrdreg $0xFFFFFFFF  }
0xa8: {  	s28 =	simm.s32 $_size_execute0_lowered;
	s4 =	sadd.s32 s4, s6;
	[dreg:$0x0] =	wrdreg $0x0  }
0xa9: {  	s6 =	sshll.u32 s28, $0x1;
	[dreg:$0x2] =	wrdreg s4  }
0xaa: {  	[dreg:$0x3] =	wrdreg s6  }
0xab: {  	[dreg:$0x4] =	wrdreg $0xC0  }
0xac: {  	_ =	task [dreg:s8], $0x5FFFF  }
0xad: {  	[dreg:$0x1] =	wrdreg $0xFFFFFFFF  }
0xae: {  	[dreg:$0x0] =	wrdreg $0x60  }
0xaf: {  	[dreg:$0x2] =	wrdreg s2  }
0xb0: {  	[dreg:$0x3] =	wrdreg s24  }
0xb1: {  	[dreg:$0x4] =	wrdreg s18  }
0xb2: {  	[dreg:$0x5] =	wrdreg $0x9  }
0xb3: {  	_ =	task.clear_ibuf [dreg:s8], $0x6FFFF;
	_ =	strace $0x90000046  }
0xb4: {  	s29 =	simm.s32 $0x9;
	_ =	strace $0x80000048  }
0xb5: {  	_ =	swait.ge [sflag:s29], $0x1  }
0xb6: {  	[sflag:s29] =	ssyncadd.s32 $0xFFFFFFFF  }
0xb7: {  	_ =	strace $0x90000048  }
0xb8: {  	_ =	sfence  }
0xb9: {  	s30 =	sld [smem:$0x0];
	_ =	sdelay $0x2  }
0xba: {  	s31 =	sshll.u32 s1, $0xD;
	s1 =	sshrl.u32 s1, $0x2  }
0xbb: {  	s3 =	sand.u32 $0x4000, s31;
	s1 =	sadd.s32 s1, s30  }
0xbc: {  	s0 =	sor.u32 s3, s0;
	s1 =	sshll.u32 s1, $0x11  }
0xbd: {  	s0 =	sor.u32 s1, s0  }
0xbe: {  	s0 =	sadd.s32 $0x8F2B, s0  }
0xbf: {  	[sflag:s0] =	ssyncadd.remote.s32 $0x1  }
0xc0: {  	_ =	sfence.sel $0xFFFF  }
0xc1: {  	[dreg:$0x0] =	wrdreg $0xFFFFFFFF;
	(pc) =	sbr.abs _section_cstart, $3  }
0xc2: {  	[dreg:$0x1] =	wrdreg $0xFFFFFFFF  }
0xc3: {  	_ =	task.clear_ibuf [dreg:s8], $0x2FFFF;
	_ =	strace $0x9FFFFFFF  }
0xc4: {  	(tm) =	ssettm $0x7FFFFFFF  }
0xc5: {  	_ =	shalt  }
tec
execute0_lowered:
.L_overlay_start_1:
0x0: {  	(tag) =	ssettag $0x1  }
0x1: {  	s1 =	rddreg [dreg:$0x0]  }
0x2: {  	s0 =	rddreg [dreg:$0x1]  }
0x3: {  	s2 =	srdreg.scid;
	s13 =	stileid.u32  }
0x4: {  	s4 =	rddreg [dreg:$0x2];
	s3 =	simm.s32 $0x0;
	s28 =	simm.s32 $0x12000  }
0x5: {  	s29 =	simm.s32 $0x13000;
	s30 =	simm.s32 $0x2;
	s31 =	simm.s32 $0x7  }
0x6: {  	s2 =	sand.u32 $0x1, s2;
	s5 =	sshll.u32 s13, $0x1;
	[smem:$0x7FF] =	sst s3  }
0x7: {  	s7 =	sadd.s32 $0x600, s1;
	s9 =	sadd.s32 $0xA00, s1;
	s11 =	sadd.s32 $0xC00, s1  }
0x8: {  	s12 =	sadd.s32 $0xE00, s1;
	s8 =	sor.u32 s2, s5;
	s6 =	ssub.s32 $0x2, s2  }
0x9: {  	s5 =	sshll.u32 s8, $0xA;
	s14 =	sshrl.u32 s6, $0x1;
	s15 =	sshll.u32 s8, $0x11  }
0xa: {  	s0 =	sadd.s32 s5, s0;
	s10 =	ssub.s32 s6, s14;
	s14 =	sadd.s32 s4, s15  }
0xb: {  	_ =	strace $0x80000047;
	s0 =	sadd.s32 $0x400, s0;
	[dreg:$0x8] =	wrdreg s14  }
0xc: {  	s20 =	sshll.u32 s13, $0x12;
	s16 =	sadd.s32 $0x1C000, s14;
	[dreg:$0x7] =	wrdreg s0  }
0xd: {  	s13 =	simm.s32 $0x4;
	s17 =	sadd.s32 $0x1C040, s14;
	[dreg:$0xa] =	wrdreg s16  }
0xe: {  	s2 =	sshll.u32 s2, $0x11;
	s18 =	sadd.s32 $0x1D000, s14;
	[dreg:$0xb] =	wrdreg s17  }
0xf: {  	s22 =	sadd.s32 s20, s4;
	s19 =	sadd.s32 $0x1D040, s14;
	[dreg:$0xc] =	wrdreg s18  }
0x10: {  	s8 =	sadd.s32 $0x800, s1;
	s21 =	sadd.s32 $0x1E000, s14;
	[dreg:$0xd] =	wrdreg s19  }
0x11: {  	s5 =	sadd.s32 $0x200, s1;
	s15 =	sadd.s32 $0x1E040, s14;
	[dreg:$0xe] =	wrdreg s21  }
0x12: {  	s6 =	sadd.s32 $0x400, s1;
	s23 =	sadd.s32 $0x1F000, s14;
	[dreg:$0xf] =	wrdreg s15  }
0x13: {  	s25 =	sadd.s32 $0x1F040, s14;
	s26 =	smax.u32 s10, $0x1;
	[dreg:$0x10] =	wrdreg s23  }
0x14: {  	s10 =	simm.s32 $0x1;
	s0 =	sadd.s32 $0x1B040, s14;
	[dreg:$0x11] =	wrdreg s25  }
0x15: {  	[dreg:$0x12] =	wrdreg s26;
	s19 =	simm.s32 $0x6000;
	s15 =	simm.s32 $0xA000  }
0x16: {  	s16 =	simm.s32 $0xE000;
	s18 =	simm.s32 $0x12800;
	s17 =	simm.s32 $0x200  }
0x17: {  	s23 =	simm.s32 $0x400;
	s14 =	simm.s32 $0x9;
	s25 =	simm.s32 $0x5  }
0x18: {  	s26 =	simm.s32 $0x6;
	[dreg:$0x9] =	wrdreg s0;
	s0 =	sor.u32 s2, s20  }
0x19: {  	s21 =	simm.s32 $0xB;
	s2 =	sadd.s32 s2, s22;
	s0 =	sadd.s32 s0, s4  }
0x1a: {  	s20 =	simm.s32 $0xA;
	[dreg:$0x4] =	wrdreg s2;
	s24 =	sadd.s32 $0x1000, s0  }
0x1b: {  	v0 =	vlaneseq.u32;
	s22 =	simm.s32 $0xC;
	s0 =	sadd.s32 $0x2000, s0;
	[dreg:$0x5] =	wrdreg s24  }
0x1c: {  	v1 =	vshrl.u32 v0, $0x2;
	s2 =	simm.s32 $0x3;
	[dreg:$0x6] =	wrdreg s0;
	s0 =	simm.s32 $0x0  }
0x1d: {  	vm0 =	vmmov $0xffff;
	v0 =	vand.u32 $0x3, v0;
	v1 =	vmul.u32 $0x8, v1;
	s4 =	simm.s32 $0x8;
	s24 =	simm.s32 $0x16000;
	[dreg:$0x13] =	wrdreg s0  }
.LBB2_1:
0x1e: {  	s0 =	rddreg [dreg:$0x7]  }
0x1f: {  	[tilespmem:s3], [sflag:$0xD] =	stream.linear.gather [hbm4b:s0+s3], $0x2000, $0x38;
	[tilespmem:$0x1A000] =	vst v63  }
0x20: {  	s0 =	simm.s32 $0xD  }
0x21: {  	_ =	swait.ge [sflag:s0], $0x2000  }
0x22: {  	[sflag:s0] =	ssyncset.done $0x0  }
0x23: {  	[sflag:s0] =	ssyncadd.s32 $0xFFFFE000  }
0x24: {  	v2 =	vld.msk [tilespmem:$0x0], $0xf;
	_ =	sdelay $0x4  }
0x25: {  	v3 =	vshll.u32 v2, $0x5  }
0x26: {  	v2 =	vand.u32 $0x7, v2;
	v3 =	vand.u32 $0xFFFFFF00, v3  }
0x27: {  	v2 =	vor.u32 v2, v3  }
0x28: {  	v2 =	vperm.xlane v2, v0;
	_ =	sdelay $0x1  }
0x29: {  	v2 =	vadd.s32 v1, v2;
	_ =	sdelay $0x3  }
0x2a: {  	s0 =	simm.s32 $0x2000  }
0x2b: {  	[tilespmem:s0], [sflag:$0x1] =	stream.indirect_vreg.gather [hbm4b:s1+s3], $0x80, v2, vm0, $0xb8;
	[tilespmem:$0x1A000] =	vst v63  }
0x2c: {  	s0 =	simm.s32 $0x2800  }
0x2d: {  	[tilespmem:s0], [sflag:$0x1] =	stream.indirect_vreg.gather [hbm4b:s5+s3], $0x80, v2, vm0, $0xb8;
	[tilespmem:$0x1A000] =	vst v63  }
0x2e: {  	s0 =	simm.s32 $0x3000  }
0x2f: {  	[tilespmem:s0], [sflag:$0x1] =	stream.indirect_vreg.gather [hbm4b:s6+s3], $0x80, v2, vm0, $0xb8;
	[tilespmem:$0x1A000] =	vst v63  }
0x30: {  	s0 =	simm.s32 $0x3800  }
0x31: {  	[tilespmem:s0], [sflag:$0x1] =	stream.indirect_vreg.gather [hbm4b:s7+s3], $0x80, v2, vm0, $0xb8;
	[tilespmem:$0x1A000] =	vst v63  }
0x32: {  	s0 =	simm.s32 $0x4000  }
0x33: {  	[tilespmem:s0], [sflag:$0x1] =	stream.indirect_vreg.gather [hbm4b:s8+s3], $0x80, v2, vm0, $0xb8;
	[tilespmem:$0x1A000] =	vst v63  }
0x34: {  	s0 =	simm.s32 $0x4800  }
0x35: {  	[tilespmem:s0], [sflag:$0x1] =	stream.indirect_vreg.gather [hbm4b:s9+s3], $0x80, v2, vm0, $0xb8;
	[tilespmem:$0x1A000] =	vst v63  }
0x36: {  	s0 =	simm.s32 $0x5000  }
0x37: {  	[tilespmem:s0], [sflag:$0x1] =	stream.indirect_vreg.gather [hbm4b:s11+s3], $0x80, v2, vm0, $0xb8;
	[tilespmem:$0x1A000] =	vst v63  }
0x38: {  	s0 =	simm.s32 $0x5800  }
0x39: {  	[tilespmem:s0], [sflag:$0x1] =	stream.indirect_vreg.gather [hbm4b:s12+s3], $0x80, v2, vm0, $0xb8;
	[tilespmem:$0x1A000] =	vst v63  }
0x3a: {  	v2 =	vld.msk [tilespmem:$0x80], $0xf;
	_ =	sdelay $0x4  }
0x3b: {  	v3 =	vshll.u32 v2, $0x5  }
0x3c: {  	v2 =	vand.u32 $0x7, v2;
	v3 =	vand.u32 $0xFFFFFF00, v3  }
0x3d: {  	v2 =	vor.u32 v2, v3  }
0x3e: {  	v2 =	vperm.xlane v2, v0;
	_ =	sdelay $0x1  }
0x3f: {  	v2 =	vadd.s32 v1, v2;
	_ =	sdelay $0x4  }
0x40: {  	[tilespmem:s19], [sflag:$0x2] =	stream.indirect_vreg.gather [hbm4b:s1+s3], $0x80, v2, vm0, $0xb8;
	[tilespmem:$0x1A000] =	vst v63  }
0x41: {  	s19 =	simm.s32 $0x6800  }
0x42: {  	[tilespmem:s19], [sflag:$0x2] =	stream.indirect_vreg.gather [hbm4b:s5+s3], $0x80, v2, vm0, $0xb8;
	[tilespmem:$0x1A000] =	vst v63  }
0x43: {  	s19 =	simm.s32 $0x7000  }
0x44: {  	[tilespmem:s19], [sflag:$0x2] =	stream.indirect_vreg.gather [hbm4b:s6+s3], $0x80, v2, vm0, $0xb8;
	[tilespmem:$0x1A000] =	vst v63  }
0x45: {  	s19 =	simm.s32 $0x7800  }
0x46: {  	[tilespmem:s19], [sflag:$0x2] =	stream.indirect_vreg.gather [hbm4b:s7+s3], $0x80, v2, vm0, $0xb8;
	[tilespmem:$0x1A000] =	vst v63  }
0x47: {  	s19 =	simm.s32 $0x8000  }
0x48: {  	[tilespmem:s19], [sflag:$0x2] =	stream.indirect_vreg.gather [hbm4b:s8+s3], $0x80, v2, vm0, $0xb8;
	[tilespmem:$0x1A000] =	vst v63  }
0x49: {  	s19 =	simm.s32 $0x8800  }
0x4a: {  	[tilespmem:s19], [sflag:$0x2] =	stream.indirect_vreg.gather [hbm4b:s9+s3], $0x80, v2, vm0, $0xb8;
	[tilespmem:$0x1A000] =	vst v63  }
0x4b: {  	s19 =	simm.s32 $0x9000  }
0x4c: {  	[tilespmem:s19], [sflag:$0x2] =	stream.indirect_vreg.gather [hbm4b:s11+s3], $0x80, v2, vm0, $0xb8;
	[tilespmem:$0x1A000] =	vst v63  }
0x4d: {  	s19 =	simm.s32 $0x9800  }
0x4e: {  	[tilespmem:s19], [sflag:$0x2] =	stream.indirect_vreg.gather [hbm4b:s12+s3], $0x80, v2, vm0, $0xb8;
	[tilespmem:$0x1A000] =	vst v63  }
0x4f: {  	v2 =	vld.msk [tilespmem:$0x100], $0xf;
	_ =	sdelay $0x4  }
0x50: {  	v3 =	vshll.u32 v2, $0x5  }
0x51: {  	v2 =	vand.u32 $0x7, v2;
	v3 =	vand.u32 $0xFFFFFF00, v3  }
0x52: {  	v2 =	vor.u32 v2, v3  }
0x53: {  	v2 =	vperm.xlane v2, v0;
	_ =	sdelay $0x1  }
0x54: {  	v2 =	vadd.s32 v1, v2;
	_ =	sdelay $0x4  }
0x55: {  	[tilespmem:s15], [sflag:$0x3] =	stream.indirect_vreg.gather [hbm4b:s1+s3], $0x80, v2, vm0, $0xb8;
	[tilespmem:$0x1A000] =	vst v63  }
0x56: {  	s15 =	simm.s32 $0xA800  }
0x57: {  	[tilespmem:s15], [sflag:$0x3] =	stream.indirect_vreg.gather [hbm4b:s5+s3], $0x80, v2, vm0, $0xb8;
	[tilespmem:$0x1A000] =	vst v63  }
0x58: {  	s19 =	simm.s32 $0xB000  }
0x59: {  	[tilespmem:s19], [sflag:$0x3] =	stream.indirect_vreg.gather [hbm4b:s6+s3], $0x80, v2, vm0, $0xb8;
	[tilespmem:$0x1A000] =	vst v63  }
0x5a: {  	s15 =	simm.s32 $0xB800  }
0x5b: {  	[tilespmem:s15], [sflag:$0x3] =	stream.indirect_vreg.gather [hbm4b:s7+s3], $0x80, v2, vm0, $0xb8;
	[tilespmem:$0x1A000] =	vst v63  }
0x5c: {  	s19 =	simm.s32 $0xC000  }
0x5d: {  	[tilespmem:s19], [sflag:$0x3] =	stream.indirect_vreg.gather [hbm4b:s8+s3], $0x80, v2, vm0, $0xb8;
	[tilespmem:$0x1A000] =	vst v63  }
0x5e: {  	s15 =	simm.s32 $0xC800  }
0x5f: {  	[tilespmem:s15], [sflag:$0x3] =	stream.indirect_vreg.gather [hbm4b:s9+s3], $0x80, v2, vm0, $0xb8;
	[tilespmem:$0x1A000] =	vst v63  }
0x60: {  	s19 =	simm.s32 $0xD000  }
0x61: {  	[tilespmem:s19], [sflag:$0x3] =	stream.indirect_vreg.gather [hbm4b:s11+s3], $0x80, v2, vm0, $0xb8;
	[tilespmem:$0x1A000] =	vst v63  }
0x62: {  	s15 =	simm.s32 $0xD800  }
0x63: {  	[tilespmem:s15], [sflag:$0x3] =	stream.indirect_vreg.gather [hbm4b:s12+s3], $0x80, v2, vm0, $0xb8;
	[tilespmem:$0x1A000] =	vst v63  }
0x64: {  	v2 =	vld.msk [tilespmem:$0x180], $0xf;
	_ =	sdelay $0x4  }
0x65: {  	v3 =	vshll.u32 v2, $0x5  }
0x66: {  	v2 =	vand.u32 $0x7, v2;
	v3 =	vand.u32 $0xFFFFFF00, v3  }
0x67: {  	v2 =	vor.u32 v2, v3  }
0x68: {  	v2 =	vperm.xlane v2, v0;
	_ =	sdelay $0x1  }
0x69: {  	v2 =	vadd.s32 v1, v2;
	_ =	sdelay $0x4  }
0x6a: {  	[tilespmem:s16], [sflag:$0x4] =	stream.indirect_vreg.gather [hbm4b:s1+s3], $0x80, v2, vm0, $0xb8;
	[tilespmem:$0x1A000] =	vst v63  }
0x6b: {  	s16 =	simm.s32 $0xE800  }
0x6c: {  	[tilespmem:s16], [sflag:$0x4] =	stream.indirect_vreg.gather [hbm4b:s5+s3], $0x80, v2, vm0, $0xb8;
	[tilespmem:$0x1A000] =	vst v63  }
0x6d: {  	s19 =	simm.s32 $0xF000  }
0x6e: {  	[tilespmem:s19], [sflag:$0x4] =	stream.indirect_vreg.gather [hbm4b:s6+s3], $0x80, v2, vm0, $0xb8;
	[tilespmem:$0x1A000] =	vst v63  }
0x6f: {  	s15 =	simm.s32 $0xF800  }
0x70: {  	[tilespmem:s15], [sflag:$0x4] =	stream.indirect_vreg.gather [hbm4b:s7+s3], $0x80, v2, vm0, $0xb8;
	[tilespmem:$0x1A000] =	vst v63  }
0x71: {  	s16 =	simm.s32 $0x10000  }
0x72: {  	[tilespmem:s16], [sflag:$0x4] =	stream.indirect_vreg.gather [hbm4b:s8+s3], $0x80, v2, vm0, $0xb8;
	[tilespmem:$0x1A000] =	vst v63  }
0x73: {  	s19 =	simm.s32 $0x10800  }
0x74: {  	[tilespmem:s19], [sflag:$0x4] =	stream.indirect_vreg.gather [hbm4b:s9+s3], $0x80, v2, vm0, $0xb8;
	[tilespmem:$0x1A000] =	vst v63  }
0x75: {  	s15 =	simm.s32 $0x11000  }
0x76: {  	[tilespmem:s15], [sflag:$0x4] =	stream.indirect_vreg.gather [hbm4b:s11+s3], $0x80, v2, vm0, $0xb8;
	[tilespmem:$0x1A000] =	vst v63  }
0x77: {  	s16 =	simm.s32 $0x11800  }
0x78: {  	[tilespmem:s16], [sflag:$0x4] =	stream.indirect_vreg.gather [hbm4b:s12+s3], $0x80, v2, vm0, $0xb8;
	[tilespmem:$0x1A000] =	vst v63  }
0x79: {  	v2 =	vld.msk [tilespmem:$0x200], $0xf;
	_ =	sdelay $0x4  }
0x7a: {  	v3 =	vshll.u32 v2, $0x5  }
0x7b: {  	v2 =	vand.u32 $0x7, v2;
	v3 =	vand.u32 $0xFFFFFF00, v3  }
0x7c: {  	v2 =	vor.u32 v2, v3  }
0x7d: {  	v2 =	vperm.xlane v2, v0;
	_ =	sdelay $0x1  }
0x7e: {  	v2 =	vadd.s32 v1, v2;
	_ =	sdelay $0x4  }
0x7f: {  	[tilespmem:s28], [sflag:$0x5] =	stream.indirect_vreg.gather [hbm4b:s1+s3], $0x80, v2, vm0, $0xb8;
	[tilespmem:$0x1A000] =	vst v63  }
0x80: {  	_ = 	snop  }
0x81: {  	[tilespmem:s18], [sflag:$0x5] =	stream.indirect_vreg.gather [hbm4b:s5+s3], $0x80, v2, vm0, $0xb8;
	[tilespmem:$0x1A000] =	vst v63  }
0x82: {  	_ = 	snop  }
0x83: {  	[tilespmem:s29], [sflag:$0x5] =	stream.indirect_vreg.gather [hbm4b:s6+s3], $0x80, v2, vm0, $0xb8;
	[tilespmem:$0x1A000] =	vst v63  }
0x84: {  	s18 =	simm.s32 $0x13800  }
0x85: {  	[tilespmem:s18], [sflag:$0x5] =	stream.indirect_vreg.gather [hbm4b:s7+s3], $0x80, v2, vm0, $0xb8;
	[tilespmem:$0x1A000] =	vst v63  }
0x86: {  	s19 =	simm.s32 $0x14000  }
0x87: {  	[tilespmem:s19], [sflag:$0x5] =	stream.indirect_vreg.gather [hbm4b:s8+s3], $0x80, v2, vm0, $0xb8;
	[tilespmem:$0x1A000] =	vst v63  }
0x88: {  	s28 =	simm.s32 $0x14800  }
0x89: {  	[tilespmem:s28], [sflag:$0x5] =	stream.indirect_vreg.gather [hbm4b:s9+s3], $0x80, v2, vm0, $0xb8;
	[tilespmem:$0x1A000] =	vst v63  }
0x8a: {  	s15 =	simm.s32 $0x15000  }
0x8b: {  	[tilespmem:s15], [sflag:$0x5] =	stream.indirect_vreg.gather [hbm4b:s11+s3], $0x80, v2, vm0, $0xb8;
	[tilespmem:$0x1A000] =	vst v63  }
0x8c: {  	s16 =	simm.s32 $0x15800  }
0x8d: {  	[tilespmem:s16], [sflag:$0x5] =	stream.indirect_vreg.gather [hbm4b:s12+s3], $0x80, v2, vm0, $0xb8;
	[tilespmem:$0x1A000] =	vst v63  }
0x8e: {  	_ =	swait.ge [sflag:s10], $0x4000  }
0x8f: {  	[sflag:s10] =	ssyncset.done $0x0  }
0x90: {  	s19 =	simm.s32 $0x2000;
	s18 =	rddreg [dreg:$0x8];
	[sflag:s10] =	ssyncadd.s32 $0xFFFFC000  }
0x91: {  	[hbm4b:s18+s17] =	stream.strided.scatter [tilespmem:s19], [sflag:$0x7], $0x4000, s23, s17, $0x38;
	[tilespmem:$0x1A000] =	vst v63  }
0x92: {  	v2 =	vld.msk [tilespmem:$0x280], $0xf;
	_ =	sdelay $0x4  }
0x93: {  	v3 =	vshll.u32 v2, $0x5  }
0x94: {  	v2 =	vand.u32 $0x7, v2;
	v3 =	vand.u32 $0xFFFFFF00, v3  }
0x95: {  	v2 =	vor.u32 v2, v3  }
0x96: {  	v2 =	vperm.xlane v2, v0;
	_ =	sdelay $0x1  }
0x97: {  	v2 =	vadd.s32 v1, v2;
	_ =	sdelay $0x4  }
0x98: {  	[tilespmem:s24], [sflag:$0x6] =	stream.indirect_vreg.gather [hbm4b:s1+s3], $0x80, v2, vm0, $0xb8;
	[tilespmem:$0x1A000] =	vst v63  }
0x99: {  	s28 =	simm.s32 $0x16800  }
0x9a: {  	[tilespmem:s28], [sflag:$0x6] =	stream.indirect_vreg.gather [hbm4b:s5+s3], $0x80, v2, vm0, $0xb8;
	[tilespmem:$0x1A000] =	vst v63  }
0x9b: {  	s15 =	simm.s32 $0x17000  }
0x9c: {  	[tilespmem:s15], [sflag:$0x6] =	stream.indirect_vreg.gather [hbm4b:s6+s3], $0x80, v2, vm0, $0xb8;
	[tilespmem:$0x1A000] =	vst v63  }
0x9d: {  	s16 =	simm.s32 $0x17800  }
0x9e: {  	[tilespmem:s16], [sflag:$0x6] =	stream.indirect_vreg.gather [hbm4b:s7+s3], $0x80, v2, vm0, $0xb8;
	[tilespmem:$0x1A000] =	vst v63  }
0x9f: {  	s18 =	simm.s32 $0x18000  }
0xa0: {  	[tilespmem:s18], [sflag:$0x6] =	stream.indirect_vreg.gather [hbm4b:s8+s3], $0x80, v2, vm0, $0xb8;
	[tilespmem:$0x1A000] =	vst v63  }
0xa1: {  	s19 =	simm.s32 $0x18800  }
0xa2: {  	[tilespmem:s19], [sflag:$0x6] =	stream.indirect_vreg.gather [hbm4b:s9+s3], $0x80, v2, vm0, $0xb8;
	[tilespmem:$0x1A000] =	vst v63  }
0xa3: {  	s24 =	simm.s32 $0x19000  }
0xa4: {  	[tilespmem:s24], [sflag:$0x6] =	stream.indirect_vreg.gather [hbm4b:s11+s3], $0x80, v2, vm0, $0xb8;
	[tilespmem:$0x1A000] =	vst v63  }
0xa5: {  	s29 =	simm.s32 $0x580;
	s28 =	simm.s32 $0x19800;
	s16 =	simm.s32 $0x0  }
0xa6: {  	[tilespmem:s28], [sflag:$0x6] =	stream.indirect_vreg.gather [hbm4b:s12+s3], $0x80, v2, vm0, $0xb8;
	[tilespmem:$0x1A000] =	vst v63  }
.LBB2_2:
0xa7: {  	_ =	swait.ge [sflag:s30], $0x4000  }
0xa8: {  	s24 =	rddreg [dreg:$0x4]  }
0xa9: {  	[sflag:s30] =	ssyncset.done $0x0;
	s24 =	sadd.s32 s16, s24  }
0xaa: {  	s15 =	simm.s32 $0x6000;
	[sflag:s30] =	ssyncadd.s32 $0xFFFFC000;
	s0 =	sadd.s32 $0x40, s24  }
0xab: {  	[hbm4b:s0+s17] =	stream.strided.scatter [tilespmem:s15], [sflag:$0x8], $0x4000, s23, s17, $0x38;
	[tilespmem:$0x1A000] =	vst v63  }
0xac: {  	_ =	swait.ge [sflag:s31], $0x4000  }
0xad: {  	[sflag:s31] =	ssyncset.done $0x0  }
0xae: {  	[sflag:s31] =	ssyncadd.s32 $0xFFFFC000  }
0xaf: {  	v2 =	vld.msk [tilespmem:s29+$0xFFFFFD80], $0xf;
	_ =	sdelay $0x4  }
0xb0: {  	v3 =	vshll.u32 v2, $0x5  }
0xb1: {  	v2 =	vand.u32 $0x7, v2;
	v3 =	vand.u32 $0xFFFFFF00, v3  }
0xb2: {  	v2 =	vor.u32 v2, v3  }
0xb3: {  	v2 =	vperm.xlane v2, v0;
	_ =	sdelay $0x1  }
0xb4: {  	v2 =	vadd.s32 v1, v2;
	_ =	sdelay $0x3  }
0xb5: {  	s19 =	simm.s32 $0x2000  }
0xb6: {  	[tilespmem:s19], [sflag:$0x1] =	stream.indirect_vreg.gather [hbm4b:s1+s3], $0x80, v2, vm0, $0xb8;
	[tilespmem:$0x1A000] =	vst v63  }
0xb7: {  	s18 =	simm.s32 $0x2800  }
0xb8: {  	[tilespmem:s18], [sflag:$0x1] =	stream.indirect_vreg.gather [hbm4b:s5+s3], $0x80, v2, vm0, $0xb8;
	[tilespmem:$0x1A000] =	vst v63  }
0xb9: {  	s18 =	simm.s32 $0x3000  }
0xba: {  	[tilespmem:s18], [sflag:$0x1] =	stream.indirect_vreg.gather [hbm4b:s6+s3], $0x80, v2, vm0, $0xb8;
	[tilespmem:$0x1A000] =	vst v63  }
0xbb: {  	s18 =	simm.s32 $0x3800  }
0xbc: {  	[tilespmem:s18], [sflag:$0x1] =	stream.indirect_vreg.gather [hbm4b:s7+s3], $0x80, v2, vm0, $0xb8;
	[tilespmem:$0x1A000] =	vst v63  }
0xbd: {  	s18 =	simm.s32 $0x4000  }
0xbe: {  	[tilespmem:s18], [sflag:$0x1] =	stream.indirect_vreg.gather [hbm4b:s8+s3], $0x80, v2, vm0, $0xb8;
	[tilespmem:$0x1A000] =	vst v63  }
0xbf: {  	s18 =	simm.s32 $0x4800  }
0xc0: {  	[tilespmem:s18], [sflag:$0x1] =	stream.indirect_vreg.gather [hbm4b:s9+s3], $0x80, v2, vm0, $0xb8;
	[tilespmem:$0x1A000] =	vst v63  }
0xc1: {  	s18 =	simm.s32 $0x5000  }
0xc2: {  	[tilespmem:s18], [sflag:$0x1] =	stream.indirect_vreg.gather [hbm4b:s11+s3], $0x80, v2, vm0, $0xb8;
	[tilespmem:$0x1A000] =	vst v63  }
0xc3: {  	s18 =	simm.s32 $0x5800  }
0xc4: {  	[tilespmem:s18], [sflag:$0x1] =	stream.indirect_vreg.gather [hbm4b:s12+s3], $0x80, v2, vm0, $0xb8;
	[tilespmem:$0x1A000] =	vst v63  }
0xc5: {  	_ =	swait.ge [sflag:s2], $0x4000  }
0xc6: {  	s18 =	rddreg [dreg:$0x5];
	[sflag:s2] =	ssyncset.done $0x0  }
0xc7: {  	s28 =	simm.s32 $0xA000;
	[sflag:s2] =	ssyncadd.s32 $0xFFFFC000;
	s0 =	sadd.s32 s16, s18  }
0xc8: {  	[hbm4b:s0+s17] =	stream.strided.scatter [tilespmem:s28], [sflag:$0x9], $0x4000, s23, s17, $0x38;
	[tilespmem:$0x1A000] =	vst v63  }
0xc9: {  	_ =	swait.ge [sflag:s4], $0x4000  }
0xca: {  	[sflag:s4] =	ssyncset.done $0x0  }
0xcb: {  	[sflag:s4] =	ssyncadd.s32 $0xFFFFC000  }
0xcc: {  	v2 =	vld.msk [tilespmem:s29+$0xFFFFFE00], $0xf;
	_ =	sdelay $0x4  }
0xcd: {  	v3 =	vshll.u32 v2, $0x5  }
0xce: {  	v2 =	vand.u32 $0x7, v2;
	v3 =	vand.u32 $0xFFFFFF00, v3  }
0xcf: {  	v2 =	vor.u32 v2, v3  }
0xd0: {  	v2 =	vperm.xlane v2, v0;
	_ =	sdelay $0x1  }
0xd1: {  	v2 =	vadd.s32 v1, v2;
	_ =	sdelay $0x4  }
0xd2: {  	[tilespmem:s15], [sflag:$0x2] =	stream.indirect_vreg.gather [hbm4b:s1+s3], $0x80, v2, vm0, $0xb8;
	[tilespmem:$0x1A000] =	vst v63  }
0xd3: {  	s18 =	simm.s32 $0x6800  }
0xd4: {  	[tilespmem:s18], [sflag:$0x2] =	stream.indirect_vreg.gather [hbm4b:s5+s3], $0x80, v2, vm0, $0xb8;
	[tilespmem:$0x1A000] =	vst v63  }
0xd5: {  	s18 =	simm.s32 $0x7000  }
0xd6: {  	[tilespmem:s18], [sflag:$0x2] =	stream.indirect_vreg.gather [hbm4b:s6+s3], $0x80, v2, vm0, $0xb8;
	[tilespmem:$0x1A000] =	vst v63  }
0xd7: {  	s18 =	simm.s32 $0x7800  }
0xd8: {  	[tilespmem:s18], [sflag:$0x2] =	stream.indirect_vreg.gather [hbm4b:s7+s3], $0x80, v2, vm0, $0xb8;
	[tilespmem:$0x1A000] =	vst v63  }
0xd9: {  	s18 =	simm.s32 $0x8000  }
0xda: {  	[tilespmem:s18], [sflag:$0x2] =	stream.indirect_vreg.gather [hbm4b:s8+s3], $0x80, v2, vm0, $0xb8;
	[tilespmem:$0x1A000] =	vst v63  }
0xdb: {  	s18 =	simm.s32 $0x8800  }
0xdc: {  	[tilespmem:s18], [sflag:$0x2] =	stream.indirect_vreg.gather [hbm4b:s9+s3], $0x80, v2, vm0, $0xb8;
	[tilespmem:$0x1A000] =	vst v63  }
0xdd: {  	s18 =	simm.s32 $0x9000  }
0xde: {  	[tilespmem:s18], [sflag:$0x2] =	stream.indirect_vreg.gather [hbm4b:s11+s3], $0x80, v2, vm0, $0xb8;
	[tilespmem:$0x1A000] =	vst v63  }
0xdf: {  	s18 =	simm.s32 $0x9800  }
0xe0: {  	[tilespmem:s18], [sflag:$0x2] =	stream.indirect_vreg.gather [hbm4b:s12+s3], $0x80, v2, vm0, $0xb8;
	[tilespmem:$0x1A000] =	vst v63  }
0xe1: {  	_ =	swait.ge [sflag:s13], $0x4000  }
0xe2: {  	[sflag:s13] =	ssyncset.done $0x0  }
0xe3: {  	s0 =	sadd.s32 $0x40, s0;
	s15 =	simm.s32 $0xE000;
	[sflag:s13] =	ssyncadd.s32 $0xFFFFC000  }
0xe4: {  	[hbm4b:s0+s17] =	stream.strided.scatter [tilespmem:s15], [sflag:$0xA], $0x4000, s23, s17, $0x38;
	[tilespmem:$0x1A000] =	vst v63  }
0xe5: {  	_ =	swait.ge [sflag:s14], $0x4000  }
0xe6: {  	[sflag:s14] =	ssyncset.done $0x0  }
0xe7: {  	[sflag:s14] =	ssyncadd.s32 $0xFFFFC000  }
0xe8: {  	v2 =	vld.msk [tilespmem:s29+$0xFFFFFE80], $0xf;
	_ =	sdelay $0x4  }
0xe9: {  	v3 =	vshll.u32 v2, $0x5  }
0xea: {  	v2 =	vand.u32 $0x7, v2;
	v3 =	vand.u32 $0xFFFFFF00, v3  }
0xeb: {  	v2 =	vor.u32 v2, v3  }
0xec: {  	v2 =	vperm.xlane v2, v0;
	_ =	sdelay $0x1  }
0xed: {  	v2 =	vadd.s32 v1, v2;
	_ =	sdelay $0x4  }
0xee: {  	[tilespmem:s28], [sflag:$0x3] =	stream.indirect_vreg.gather [hbm4b:s1+s3], $0x80, v2, vm0, $0xb8;
	[tilespmem:$0x1A000] =	vst v63  }
0xef: {  	s18 =	simm.s32 $0xA800  }
0xf0: {  	[tilespmem:s18], [sflag:$0x3] =	stream.indirect_vreg.gather [hbm4b:s5+s3], $0x80, v2, vm0, $0xb8;
	[tilespmem:$0x1A000] =	vst v63  }
0xf1: {  	s18 =	simm.s32 $0xB000  }
0xf2: {  	[tilespmem:s18], [sflag:$0x3] =	stream.indirect_vreg.gather [hbm4b:s6+s3], $0x80, v2, vm0, $0xb8;
	[tilespmem:$0x1A000] =	vst v63  }
0xf3: {  	s18 =	simm.s32 $0xB800  }
0xf4: {  	[tilespmem:s18], [sflag:$0x3] =	stream.indirect_vreg.gather [hbm4b:s7+s3], $0x80, v2, vm0, $0xb8;
	[tilespmem:$0x1A000] =	vst v63  }
0xf5: {  	s18 =	simm.s32 $0xC000  }
0xf6: {  	[tilespmem:s18], [sflag:$0x3] =	stream.indirect_vreg.gather [hbm4b:s8+s3], $0x80, v2, vm0, $0xb8;
	[tilespmem:$0x1A000] =	vst v63  }
0xf7: {  	s18 =	simm.s32 $0xC800  }
0xf8: {  	[tilespmem:s18], [sflag:$0x3] =	stream.indirect_vreg.gather [hbm4b:s9+s3], $0x80, v2, vm0, $0xb8;
	[tilespmem:$0x1A000] =	vst v63  }
0xf9: {  	s18 =	simm.s32 $0xD000  }
0xfa: {  	[tilespmem:s18], [sflag:$0x3] =	stream.indirect_vreg.gather [hbm4b:s11+s3], $0x80, v2, vm0, $0xb8;
	[tilespmem:$0x1A000] =	vst v63  }
0xfb: {  	s18 =	simm.s32 $0xD800  }
0xfc: {  	[tilespmem:s18], [sflag:$0x3] =	stream.indirect_vreg.gather [hbm4b:s12+s3], $0x80, v2, vm0, $0xb8;
	[tilespmem:$0x1A000] =	vst v63  }
0xfd: {  	_ =	swait.ge [sflag:s25], $0x4000  }
0xfe: {  	s18 =	rddreg [dreg:$0x6];
	[sflag:s25] =	ssyncset.done $0x0  }
0xff: {  	[sflag:s25] =	ssyncadd.s32 $0xFFFFC000;
	s0 =	sadd.s32 s16, s18;
	s18 =	simm.s32 $0x12000  }
0x100: {  	[hbm4b:s0+s17] =	stream.strided.scatter [tilespmem:s18], [sflag:$0xB], $0x4000, s23, s17, $0x38;
	[tilespmem:$0x1A000] =	vst v63  }
0x101: {  	_ =	swait.ge [sflag:s20], $0x4000  }
0x102: {  	[sflag:s20] =	ssyncset.done $0x0  }
0x103: {  	[sflag:s20] =	ssyncadd.s32 $0xFFFFC000  }
0x104: {  	v2 =	vld.msk [tilespmem:s29+$0xFFFFFF00], $0xf;
	_ =	sdelay $0x4  }
0x105: {  	v3 =	vshll.u32 v2, $0x5  }
0x106: {  	v2 =	vand.u32 $0x7, v2;
	v3 =	vand.u32 $0xFFFFFF00, v3  }
0x107: {  	v2 =	vor.u32 v2, v3  }
0x108: {  	v2 =	vperm.xlane v2, v0;
	_ =	sdelay $0x1  }
0x109: {  	v2 =	vadd.s32 v1, v2;
	_ =	sdelay $0x4  }
0x10a: {  	[tilespmem:s15], [sflag:$0x4] =	stream.indirect_vreg.gather [hbm4b:s1+s3], $0x80, v2, vm0, $0xb8;
	[tilespmem:$0x1A000] =	vst v63  }
0x10b: {  	s15 =	simm.s32 $0xE800  }
0x10c: {  	[tilespmem:s15], [sflag:$0x4] =	stream.indirect_vreg.gather [hbm4b:s5+s3], $0x80, v2, vm0, $0xb8;
	[tilespmem:$0x1A000] =	vst v63  }
0x10d: {  	s15 =	simm.s32 $0xF000  }
0x10e: {  	[tilespmem:s15], [sflag:$0x4] =	stream.indirect_vreg.gather [hbm4b:s6+s3], $0x80, v2, vm0, $0xb8;
	[tilespmem:$0x1A000] =	vst v63  }
0x10f: {  	s15 =	simm.s32 $0xF800  }
0x110: {  	[tilespmem:s15], [sflag:$0x4] =	stream.indirect_vreg.gather [hbm4b:s7+s3], $0x80, v2, vm0, $0xb8;
	[tilespmem:$0x1A000] =	vst v63  }
0x111: {  	s15 =	simm.s32 $0x10000  }
0x112: {  	[tilespmem:s15], [sflag:$0x4] =	stream.indirect_vreg.gather [hbm4b:s8+s3], $0x80, v2, vm0, $0xb8;
	[tilespmem:$0x1A000] =	vst v63  }
0x113: {  	s15 =	simm.s32 $0x10800  }
0x114: {  	[tilespmem:s15], [sflag:$0x4] =	stream.indirect_vreg.gather [hbm4b:s9+s3], $0x80, v2, vm0, $0xb8;
	[tilespmem:$0x1A000] =	vst v63  }
0x115: {  	s15 =	simm.s32 $0x11000  }
0x116: {  	[tilespmem:s15], [sflag:$0x4] =	stream.indirect_vreg.gather [hbm4b:s11+s3], $0x80, v2, vm0, $0xb8;
	[tilespmem:$0x1A000] =	vst v63  }
0x117: {  	s15 =	simm.s32 $0x11800  }
0x118: {  	[tilespmem:s15], [sflag:$0x4] =	stream.indirect_vreg.gather [hbm4b:s12+s3], $0x80, v2, vm0, $0xb8;
	[tilespmem:$0x1A000] =	vst v63  }
0x119: {  	_ =	swait.ge [sflag:s26], $0x4000  }
0x11a: {  	[sflag:s26] =	ssyncset.done $0x0  }
0x11b: {  	s0 =	sadd.s32 $0x40, s0;
	s15 =	simm.s32 $0x16000;
	[sflag:s26] =	ssyncadd.s32 $0xFFFFC000  }
0x11c: {  	[hbm4b:s0+s17] =	stream.strided.scatter [tilespmem:s15], [sflag:$0xC], $0x4000, s23, s17, $0x38;
	[tilespmem:$0x1A000] =	vst v63  }
0x11d: {  	_ =	swait.ge [sflag:s21], $0x4000  }
0x11e: {  	[sflag:s21] =	ssyncset.done $0x0  }
0x11f: {  	[sflag:s21] =	ssyncadd.s32 $0xFFFFC000  }
0x120: {  	v2 =	vld.msk [tilespmem:s29+$0xFFFFFF80], $0xf;
	_ =	sdelay $0x4  }
0x121: {  	v3 =	vshll.u32 v2, $0x5  }
0x122: {  	v2 =	vand.u32 $0x7, v2;
	v3 =	vand.u32 $0xFFFFFF00, v3  }
0x123: {  	v2 =	vor.u32 v2, v3  }
0x124: {  	v2 =	vperm.xlane v2, v0;
	_ =	sdelay $0x1  }
0x125: {  	v2 =	vadd.s32 v1, v2;
	_ =	sdelay $0x4  }
0x126: {  	[tilespmem:s18], [sflag:$0x5] =	stream.indirect_vreg.gather [hbm4b:s1+s3], $0x80, v2, vm0, $0xb8;
	[tilespmem:$0x1A000] =	vst v63  }
0x127: {  	s18 =	simm.s32 $0x12800  }
0x128: {  	[tilespmem:s18], [sflag:$0x5] =	stream.indirect_vreg.gather [hbm4b:s5+s3], $0x80, v2, vm0, $0xb8;
	[tilespmem:$0x1A000] =	vst v63  }
0x129: {  	s18 =	simm.s32 $0x13000  }
0x12a: {  	[tilespmem:s18], [sflag:$0x5] =	stream.indirect_vreg.gather [hbm4b:s6+s3], $0x80, v2, vm0, $0xb8;
	[tilespmem:$0x1A000] =	vst v63  }
0x12b: {  	s18 =	simm.s32 $0x13800  }
0x12c: {  	[tilespmem:s18], [sflag:$0x5] =	stream.indirect_vreg.gather [hbm4b:s7+s3], $0x80, v2, vm0, $0xb8;
	[tilespmem:$0x1A000] =	vst v63  }
0x12d: {  	s18 =	simm.s32 $0x14000  }
0x12e: {  	[tilespmem:s18], [sflag:$0x5] =	stream.indirect_vreg.gather [hbm4b:s8+s3], $0x80, v2, vm0, $0xb8;
	[tilespmem:$0x1A000] =	vst v63  }
0x12f: {  	s18 =	simm.s32 $0x14800  }
0x130: {  	[tilespmem:s18], [sflag:$0x5] =	stream.indirect_vreg.gather [hbm4b:s9+s3], $0x80, v2, vm0, $0xb8;
	[tilespmem:$0x1A000] =	vst v63  }
0x131: {  	s18 =	simm.s32 $0x15000  }
0x132: {  	[tilespmem:s18], [sflag:$0x5] =	stream.indirect_vreg.gather [hbm4b:s11+s3], $0x80, v2, vm0, $0xb8;
	[tilespmem:$0x1A000] =	vst v63  }
0x133: {  	s18 =	simm.s32 $0x15800  }
0x134: {  	[tilespmem:s18], [sflag:$0x5] =	stream.indirect_vreg.gather [hbm4b:s12+s3], $0x80, v2, vm0, $0xb8;
	[tilespmem:$0x1A000] =	vst v63  }
0x135: {  	_ =	swait.ge [sflag:s10], $0x4000  }
0x136: {  	[sflag:s10] =	ssyncset.done $0x0  }
0x137: {  	s18 =	sadd.s32 $0x3000, s24;
	[sflag:s10] =	ssyncadd.s32 $0xFFFFC000  }
0x138: {  	[hbm4b:s18+s17] =	stream.strided.scatter [tilespmem:s19], [sflag:$0x7], $0x4000, s23, s17, $0x38;
	[tilespmem:$0x1A000] =	vst v63  }
0x139: {  	_ =	swait.ge [sflag:s22], $0x4000  }
0x13a: {  	[sflag:s22] =	ssyncset.done $0x0  }
0x13b: {  	[sflag:s22] =	ssyncadd.s32 $0xFFFFC000  }
0x13c: {  	v2 =	vld.msk [tilespmem:s29+$0x0], $0xf;
	_ =	sdelay $0x4  }
0x13d: {  	v3 =	vshll.u32 v2, $0x5  }
0x13e: {  	v2 =	vand.u32 $0x7, v2;
	v3 =	vand.u32 $0xFFFFFF00, v3  }
0x13f: {  	v2 =	vor.u32 v2, v3  }
0x140: {  	v2 =	vperm.xlane v2, v0;
	_ =	sdelay $0x1  }
0x141: {  	v2 =	vadd.s32 v1, v2;
	_ =	sdelay $0x4  }
0x142: {  	[tilespmem:s15], [sflag:$0x6] =	stream.indirect_vreg.gather [hbm4b:s1+s3], $0x80, v2, vm0, $0xb8;
	[tilespmem:$0x1A000] =	vst v63  }
0x143: {  	s19 =	simm.s32 $0x16800  }
0x144: {  	[tilespmem:s19], [sflag:$0x6] =	stream.indirect_vreg.gather [hbm4b:s5+s3], $0x80, v2, vm0, $0xb8;
	[tilespmem:$0x1A000] =	vst v63  }
0x145: {  	s15 =	simm.s32 $0x17000  }
0x146: {  	[tilespmem:s15], [sflag:$0x6] =	stream.indirect_vreg.gather [hbm4b:s6+s3], $0x80, v2, vm0, $0xb8;
	[tilespmem:$0x1A000] =	vst v63  }
0x147: {  	s18 =	simm.s32 $0x17800  }
0x148: {  	[tilespmem:s18], [sflag:$0x6] =	stream.indirect_vreg.gather [hbm4b:s7+s3], $0x80, v2, vm0, $0xb8;
	[tilespmem:$0x1A000] =	vst v63  }
0x149: {  	s19 =	simm.s32 $0x18000  }
0x14a: {  	[tilespmem:s19], [sflag:$0x6] =	stream.indirect_vreg.gather [hbm4b:s8+s3], $0x80, v2, vm0, $0xb8;
	[tilespmem:$0x1A000] =	vst v63  }
0x14b: {  	p0 =	sne.s32 s16, $0x18000;
	s15 =	simm.s32 $0x18800  }
0x14c: {  	[tilespmem:s15], [sflag:$0x6] =	stream.indirect_vreg.gather [hbm4b:s9+s3], $0x80, v2, vm0, $0xb8;
	[tilespmem:$0x1A000] =	vst v63  }
.Ltmp0:
0x14d: {  	_ = 	snop;
	(pc) =	sbr.rel @p0 .LBB2_2-.Ltmp0, $4  }
0x14e: {  	s28 =	simm.s32 $0x12000;
	s16 =	sadd.s32 $0x3000, s16;
	s18 =	simm.s32 $0x19000  }
0x14f: {  	[tilespmem:s18], [sflag:$0x6] =	stream.indirect_vreg.gather [hbm4b:s11+s3], $0x80, v2, vm0, $0xb8;
	[tilespmem:$0x1A000] =	vst v63  }
0x150: {  	s24 =	simm.s32 $0x16000;
	s29 =	sadd.s32 $0x300, s29;
	s19 =	simm.s32 $0x19800  }
0x151: {  	[tilespmem:s19], [sflag:$0x6] =	stream.indirect_vreg.gather [hbm4b:s12+s3], $0x80, v2, vm0, $0xb8;
	[tilespmem:$0x1A000] =	vst v63  }
0x152: {  	_ =	swait.ge [sflag:s30], $0x4000  }
0x153: {  	[sflag:s30] =	ssyncset.done $0x0  }
0x154: {  	s15 =	simm.s32 $0x6000;
	s0 =	rddreg [dreg:$0x9];
	[sflag:s30] =	ssyncadd.s32 $0xFFFFC000  }
0x155: {  	[hbm4b:s0+s17] =	stream.strided.scatter [tilespmem:s15], [sflag:$0x8], $0x4000, s23, s17, $0x38;
	[tilespmem:$0x1A000] =	vst v63  }
0x156: {  	_ =	swait.ge [sflag:s31], $0x4000  }
0x157: {  	[sflag:s31] =	ssyncset.done $0x0  }
0x158: {  	[sflag:s31] =	ssyncadd.s32 $0xFFFFC000  }
0x159: {  	v2 =	vld.msk [tilespmem:$0x1E00], $0xf;
	_ =	sdelay $0x4  }
0x15a: {  	v3 =	vshll.u32 v2, $0x5  }
0x15b: {  	v2 =	vand.u32 $0x7, v2;
	v3 =	vand.u32 $0xFFFFFF00, v3  }
0x15c: {  	v2 =	vor.u32 v2, v3  }
0x15d: {  	v2 =	vperm.xlane v2, v0;
	_ =	sdelay $0x1  }
0x15e: {  	v2 =	vadd.s32 v1, v2;
	_ =	sdelay $0x3  }
0x15f: {  	s16 =	simm.s32 $0x2000  }
0x160: {  	[tilespmem:s16], [sflag:$0x1] =	stream.indirect_vreg.gather [hbm4b:s1+s3], $0x80, v2, vm0, $0xb8;
	[tilespmem:$0x1A000] =	vst v63  }
0x161: {  	s18 =	simm.s32 $0x2800  }
0x162: {  	[tilespmem:s18], [sflag:$0x1] =	stream.indirect_vreg.gather [hbm4b:s5+s3], $0x80, v2, vm0, $0xb8;
	[tilespmem:$0x1A000] =	vst v63  }
0x163: {  	s19 =	simm.s32 $0x3000  }
0x164: {  	[tilespmem:s19], [sflag:$0x1] =	stream.indirect_vreg.gather [hbm4b:s6+s3], $0x80, v2, vm0, $0xb8;
	[tilespmem:$0x1A000] =	vst v63  }
0x165: {  	s18 =	simm.s32 $0x3800  }
0x166: {  	[tilespmem:s18], [sflag:$0x1] =	stream.indirect_vreg.gather [hbm4b:s7+s3], $0x80, v2, vm0, $0xb8;
	[tilespmem:$0x1A000] =	vst v63  }
0x167: {  	s19 =	simm.s32 $0x4000  }
0x168: {  	[tilespmem:s19], [sflag:$0x1] =	stream.indirect_vreg.gather [hbm4b:s8+s3], $0x80, v2, vm0, $0xb8;
	[tilespmem:$0x1A000] =	vst v63  }
0x169: {  	s18 =	simm.s32 $0x4800  }
0x16a: {  	[tilespmem:s18], [sflag:$0x1] =	stream.indirect_vreg.gather [hbm4b:s9+s3], $0x80, v2, vm0, $0xb8;
	[tilespmem:$0x1A000] =	vst v63  }
0x16b: {  	s19 =	simm.s32 $0x5000  }
0x16c: {  	[tilespmem:s19], [sflag:$0x1] =	stream.indirect_vreg.gather [hbm4b:s11+s3], $0x80, v2, vm0, $0xb8;
	[tilespmem:$0x1A000] =	vst v63  }
0x16d: {  	s18 =	simm.s32 $0x5800  }
0x16e: {  	[tilespmem:s18], [sflag:$0x1] =	stream.indirect_vreg.gather [hbm4b:s12+s3], $0x80, v2, vm0, $0xb8;
	[tilespmem:$0x1A000] =	vst v63  }
0x16f: {  	_ =	swait.ge [sflag:s2], $0x4000  }
0x170: {  	[sflag:s2] =	ssyncset.done $0x0  }
0x171: {  	s29 =	simm.s32 $0xA000;
	s19 =	rddreg [dreg:$0xa];
	[sflag:s2] =	ssyncadd.s32 $0xFFFFC000  }
0x172: {  	[hbm4b:s19+s17] =	stream.strided.scatter [tilespmem:s29], [sflag:$0x9], $0x4000, s23, s17, $0x38;
	[tilespmem:$0x1A000] =	vst v63  }
0x173: {  	_ =	swait.ge [sflag:s4], $0x4000  }
0x174: {  	[sflag:s4] =	ssyncset.done $0x0  }
0x175: {  	[sflag:s4] =	ssyncadd.s32 $0xFFFFC000  }
0x176: {  	v2 =	vld.msk [tilespmem:$0x1E80], $0xf;
	_ =	sdelay $0x4  }
0x177: {  	v3 =	vshll.u32 v2, $0x5  }
0x178: {  	v2 =	vand.u32 $0x7, v2;
	v3 =	vand.u32 $0xFFFFFF00, v3  }
0x179: {  	v2 =	vor.u32 v2, v3  }
0x17a: {  	v2 =	vperm.xlane v2, v0;
	_ =	sdelay $0x1  }
0x17b: {  	v2 =	vadd.s32 v1, v2;
	_ =	sdelay $0x4  }
0x17c: {  	[tilespmem:s15], [sflag:$0x2] =	stream.indirect_vreg.gather [hbm4b:s1+s3], $0x80, v2, vm0, $0xb8;
	[tilespmem:$0x1A000] =	vst v63  }
0x17d: {  	s18 =	simm.s32 $0x6800  }
0x17e: {  	[tilespmem:s18], [sflag:$0x2] =	stream.indirect_vreg.gather [hbm4b:s5+s3], $0x80, v2, vm0, $0xb8;
	[tilespmem:$0x1A000] =	vst v63  }
0x17f: {  	s19 =	simm.s32 $0x7000  }
0x180: {  	[tilespmem:s19], [sflag:$0x2] =	stream.indirect_vreg.gather [hbm4b:s6+s3], $0x80, v2, vm0, $0xb8;
	[tilespmem:$0x1A000] =	vst v63  }
0x181: {  	s18 =	simm.s32 $0x7800  }
0x182: {  	[tilespmem:s18], [sflag:$0x2] =	stream.indirect_vreg.gather [hbm4b:s7+s3], $0x80, v2, vm0, $0xb8;
	[tilespmem:$0x1A000] =	vst v63  }
0x183: {  	s19 =	simm.s32 $0x8000  }
0x184: {  	[tilespmem:s19], [sflag:$0x2] =	stream.indirect_vreg.gather [hbm4b:s8+s3], $0x80, v2, vm0, $0xb8;
	[tilespmem:$0x1A000] =	vst v63  }
0x185: {  	s18 =	simm.s32 $0x8800  }
0x186: {  	[tilespmem:s18], [sflag:$0x2] =	stream.indirect_vreg.gather [hbm4b:s9+s3], $0x80, v2, vm0, $0xb8;
	[tilespmem:$0x1A000] =	vst v63  }
0x187: {  	s19 =	simm.s32 $0x9000  }
0x188: {  	[tilespmem:s19], [sflag:$0x2] =	stream.indirect_vreg.gather [hbm4b:s11+s3], $0x80, v2, vm0, $0xb8;
	[tilespmem:$0x1A000] =	vst v63  }
0x189: {  	s18 =	simm.s32 $0x9800  }
0x18a: {  	[tilespmem:s18], [sflag:$0x2] =	stream.indirect_vreg.gather [hbm4b:s12+s3], $0x80, v2, vm0, $0xb8;
	[tilespmem:$0x1A000] =	vst v63  }
0x18b: {  	_ =	swait.ge [sflag:s13], $0x4000  }
0x18c: {  	[sflag:s13] =	ssyncset.done $0x0  }
0x18d: {  	s18 =	simm.s32 $0xE000;
	s19 =	rddreg [dreg:$0xb];
	[sflag:s13] =	ssyncadd.s32 $0xFFFFC000  }
0x18e: {  	[hbm4b:s19+s17] =	stream.strided.scatter [tilespmem:s18], [sflag:$0xA], $0x4000, s23, s17, $0x38;
	[tilespmem:$0x1A000] =	vst v63  }
0x18f: {  	_ =	swait.ge [sflag:s14], $0x4000  }
0x190: {  	[sflag:s14] =	ssyncset.done $0x0  }
0x191: {  	[sflag:s14] =	ssyncadd.s32 $0xFFFFC000  }
0x192: {  	v2 =	vld.msk [tilespmem:$0x1F00], $0xf;
	_ =	sdelay $0x4  }
0x193: {  	v3 =	vshll.u32 v2, $0x5  }
0x194: {  	v2 =	vand.u32 $0x7, v2;
	v3 =	vand.u32 $0xFFFFFF00, v3  }
0x195: {  	v2 =	vor.u32 v2, v3  }
0x196: {  	v2 =	vperm.xlane v2, v0;
	_ =	sdelay $0x1  }
0x197: {  	v2 =	vadd.s32 v1, v2;
	_ =	sdelay $0x4  }
0x198: {  	[tilespmem:s29], [sflag:$0x3] =	stream.indirect_vreg.gather [hbm4b:s1+s3], $0x80, v2, vm0, $0xb8;
	[tilespmem:$0x1A000] =	vst v63  }
0x199: {  	s19 =	simm.s32 $0xA800  }
0x19a: {  	[tilespmem:s19], [sflag:$0x3] =	stream.indirect_vreg.gather [hbm4b:s5+s3], $0x80, v2, vm0, $0xb8;
	[tilespmem:$0x1A000] =	vst v63  }
0x19b: {  	s19 =	simm.s32 $0xB000  }
0x19c: {  	[tilespmem:s19], [sflag:$0x3] =	stream.indirect_vreg.gather [hbm4b:s6+s3], $0x80, v2, vm0, $0xb8;
	[tilespmem:$0x1A000] =	vst v63  }
0x19d: {  	s19 =	simm.s32 $0xB800  }
0x19e: {  	[tilespmem:s19], [sflag:$0x3] =	stream.indirect_vreg.gather [hbm4b:s7+s3], $0x80, v2, vm0, $0xb8;
	[tilespmem:$0x1A000] =	vst v63  }
0x19f: {  	s19 =	simm.s32 $0xC000  }
0x1a0: {  	[tilespmem:s19], [sflag:$0x3] =	stream.indirect_vreg.gather [hbm4b:s8+s3], $0x80, v2, vm0, $0xb8;
	[tilespmem:$0x1A000] =	vst v63  }
0x1a1: {  	s19 =	simm.s32 $0xC800  }
0x1a2: {  	[tilespmem:s19], [sflag:$0x3] =	stream.indirect_vreg.gather [hbm4b:s9+s3], $0x80, v2, vm0, $0xb8;
	[tilespmem:$0x1A000] =	vst v63  }
0x1a3: {  	s19 =	simm.s32 $0xD000  }
0x1a4: {  	[tilespmem:s19], [sflag:$0x3] =	stream.indirect_vreg.gather [hbm4b:s11+s3], $0x80, v2, vm0, $0xb8;
	[tilespmem:$0x1A000] =	vst v63  }
0x1a5: {  	s19 =	simm.s32 $0xD800  }
0x1a6: {  	[tilespmem:s19], [sflag:$0x3] =	stream.indirect_vreg.gather [hbm4b:s12+s3], $0x80, v2, vm0, $0xb8;
	[tilespmem:$0x1A000] =	vst v63  }
0x1a7: {  	_ =	swait.ge [sflag:s25], $0x4000  }
0x1a8: {  	[sflag:s25] =	ssyncset.done $0x0  }
0x1a9: {  	s19 =	rddreg [dreg:$0xc];
	[sflag:s25] =	ssyncadd.s32 $0xFFFFC000  }
0x1aa: {  	[hbm4b:s19+s17] =	stream.strided.scatter [tilespmem:s28], [sflag:$0xB], $0x4000, s23, s17, $0x38;
	[tilespmem:$0x1A000] =	vst v63  }
0x1ab: {  	_ =	swait.ge [sflag:s20], $0x4000  }
0x1ac: {  	[sflag:s20] =	ssyncset.done $0x0  }
0x1ad: {  	[sflag:s20] =	ssyncadd.s32 $0xFFFFC000  }
0x1ae: {  	v2 =	vld.msk [tilespmem:$0x1F80], $0xf;
	_ =	sdelay $0x4  }
0x1af: {  	v3 =	vshll.u32 v2, $0x5  }
0x1b0: {  	v2 =	vand.u32 $0x7, v2;
	v3 =	vand.u32 $0xFFFFFF00, v3  }
0x1b1: {  	v2 =	vor.u32 v2, v3  }
0x1b2: {  	v2 =	vperm.xlane v2, v0;
	_ =	sdelay $0x1  }
0x1b3: {  	v2 =	vadd.s32 v1, v2;
	_ =	sdelay $0x4  }
0x1b4: {  	[tilespmem:s18], [sflag:$0x4] =	stream.indirect_vreg.gather [hbm4b:s1+s3], $0x80, v2, vm0, $0xb8;
	[tilespmem:$0x1A000] =	vst v63  }
0x1b5: {  	s19 =	simm.s32 $0xE800  }
0x1b6: {  	[tilespmem:s19], [sflag:$0x4] =	stream.indirect_vreg.gather [hbm4b:s5+s3], $0x80, v2, vm0, $0xb8;
	[tilespmem:$0x1A000] =	vst v63  }
0x1b7: {  	s19 =	simm.s32 $0xF000  }
0x1b8: {  	[tilespmem:s19], [sflag:$0x4] =	stream.indirect_vreg.gather [hbm4b:s6+s3], $0x80, v2, vm0, $0xb8;
	[tilespmem:$0x1A000] =	vst v63  }
0x1b9: {  	s19 =	simm.s32 $0xF800  }
0x1ba: {  	[tilespmem:s19], [sflag:$0x4] =	stream.indirect_vreg.gather [hbm4b:s7+s3], $0x80, v2, vm0, $0xb8;
	[tilespmem:$0x1A000] =	vst v63  }
0x1bb: {  	s19 =	simm.s32 $0x10000  }
0x1bc: {  	[tilespmem:s19], [sflag:$0x4] =	stream.indirect_vreg.gather [hbm4b:s8+s3], $0x80, v2, vm0, $0xb8;
	[tilespmem:$0x1A000] =	vst v63  }
0x1bd: {  	s19 =	simm.s32 $0x10800  }
0x1be: {  	[tilespmem:s19], [sflag:$0x4] =	stream.indirect_vreg.gather [hbm4b:s9+s3], $0x80, v2, vm0, $0xb8;
	[tilespmem:$0x1A000] =	vst v63  }
0x1bf: {  	s19 =	simm.s32 $0x11000  }
0x1c0: {  	[tilespmem:s19], [sflag:$0x4] =	stream.indirect_vreg.gather [hbm4b:s11+s3], $0x80, v2, vm0, $0xb8;
	[tilespmem:$0x1A000] =	vst v63  }
0x1c1: {  	s19 =	simm.s32 $0x11800  }
0x1c2: {  	[tilespmem:s19], [sflag:$0x4] =	stream.indirect_vreg.gather [hbm4b:s12+s3], $0x80, v2, vm0, $0xb8;
	[tilespmem:$0x1A000] =	vst v63  }
0x1c3: {  	_ =	swait.ge [sflag:s26], $0x4000  }
0x1c4: {  	[sflag:s26] =	ssyncset.done $0x0  }
0x1c5: {  	s19 =	rddreg [dreg:$0xd];
	[sflag:s26] =	ssyncadd.s32 $0xFFFFC000  }
0x1c6: {  	[hbm4b:s19+s17] =	stream.strided.scatter [tilespmem:s24], [sflag:$0xC], $0x4000, s23, s17, $0x38;
	[tilespmem:$0x1A000] =	vst v63  }
0x1c7: {  	_ =	swait.ge [sflag:s10], $0x4000  }
0x1c8: {  	[sflag:s10] =	ssyncset.done $0x0  }
0x1c9: {  	s19 =	rddreg [dreg:$0xe];
	[sflag:s10] =	ssyncadd.s32 $0xFFFFC000  }
0x1ca: {  	[hbm4b:s19+s17] =	stream.strided.scatter [tilespmem:s16], [sflag:$0x7], $0x4000, s23, s17, $0x38;
	[tilespmem:$0x1A000] =	vst v63  }
0x1cb: {  	_ =	swait.ge [sflag:s30], $0x4000  }
0x1cc: {  	[sflag:s30] =	ssyncset.done $0x0  }
0x1cd: {  	s16 =	rddreg [dreg:$0xf];
	[sflag:s30] =	ssyncadd.s32 $0xFFFFC000  }
0x1ce: {  	[hbm4b:s16+s17] =	stream.strided.scatter [tilespmem:s15], [sflag:$0x8], $0x4000, s23, s17, $0x38;
	[tilespmem:$0x1A000] =	vst v63  }
0x1cf: {  	_ =	swait.ge [sflag:s2], $0x4000  }
0x1d0: {  	[sflag:s2] =	ssyncset.done $0x0  }
0x1d1: {  	s16 =	rddreg [dreg:$0x10];
	[sflag:s2] =	ssyncadd.s32 $0xFFFFC000  }
0x1d2: {  	[hbm4b:s16+s17] =	stream.strided.scatter [tilespmem:s29], [sflag:$0x9], $0x4000, s23, s17, $0x38;
	[tilespmem:$0x1A000] =	vst v63  }
0x1d3: {  	_ =	swait.ge [sflag:s13], $0x4000  }
0x1d4: {  	[sflag:s13] =	ssyncset.done $0x0  }
0x1d5: {  	s0 =	rddreg [dreg:$0x11];
	[sflag:s13] =	ssyncadd.s32 $0xFFFFC000  }
0x1d6: {  	[hbm4b:s0+s17] =	stream.strided.scatter [tilespmem:s18], [sflag:$0xA], $0x4000, s23, s17, $0x38;
	[tilespmem:$0x1A000] =	vst v63  }
0x1d7: {  	_ =	swait.ge [sflag:s21], $0x4000  }
0x1d8: {  	[sflag:s21] =	ssyncset.done $0x0  }
0x1d9: {  	[sflag:s21] =	ssyncadd.s32 $0xFFFFC000  }
0x1da: {  	_ =	swait.ge [sflag:s22], $0x4000  }
0x1db: {  	[sflag:s22] =	ssyncset.done $0x0  }
0x1dc: {  	[sflag:s22] =	ssyncadd.s32 $0xFFFFC000  }
0x1dd: {  	_ =	swait.ge [sflag:s31], $0x4000  }
0x1de: {  	[sflag:s31] =	ssyncset.done $0x0  }
0x1df: {  	[sflag:s31] =	ssyncadd.s32 $0xFFFFC000  }
0x1e0: {  	_ =	swait.ge [sflag:s4], $0x4000  }
0x1e1: {  	[sflag:s4] =	ssyncset.done $0x0  }
0x1e2: {  	[sflag:s4] =	ssyncadd.s32 $0xFFFFC000  }
0x1e3: {  	_ =	swait.ge [sflag:s14], $0x4000  }
0x1e4: {  	[sflag:s14] =	ssyncset.done $0x0  }
0x1e5: {  	[sflag:s14] =	ssyncadd.s32 $0xFFFFC000  }
0x1e6: {  	_ =	swait.ge [sflag:s20], $0x4000  }
0x1e7: {  	s0 =	rddreg [dreg:$0x13]  }
0x1e8: {  	s18 =	sadd.s32 $0x1, s0;
	s0 =	rddreg [dreg:$0x12]  }
0x1e9: {  	p0 =	sne.s32 s18, s0  }
.Ltmp1:
0x1ea: {  	_ = 	snop;
	(pc) =	sbr.rel @p0 .LBB2_1-.Ltmp1, $4  }
0x1eb: {  	_ = 	snop  }
0x1ec: {  	s19 =	simm.s32 $0x6000;
	s15 =	simm.s32 $0xA000  }
0x1ed: {  	s16 =	simm.s32 $0xE000;
	s29 =	simm.s32 $0x13000;
	[sflag:s20] =	ssyncset.done $0x0  }
0x1ee: {  	[sflag:s20] =	ssyncadd.s32 $0xFFFFC000;
	[dreg:$0x13] =	wrdreg s18;
	s18 =	simm.s32 $0x12800  }
0x1ef: {  	_ =	sfence.sel $0x180000  }
0x1f0: {  	[bflag:$0x0] =	sbarrier.arrive $0xFFFF  }
0x1f1: {  	_ =	strace $0x90000047  }
0x1f2: {  	s0 =	stileid.u32;
	[bflag:$0x2] =	sbarrier.arrive $0xFFFF  }
0x1f3: {  	p0 =	sne.s32 s0, $0x0;
	s0 =	rddreg [dreg:$0x3]  }
0x1f4: {  	s0 =	sadd.s32 @!p0 $0x100000, s0  }
0x1f5: {  	[sflag:s0] =	ssyncadd.tile.s32 @!p0 $0x1;
	_ =	shalt  }
.Lfunc_end2:
_tile_overlayer_lowered:
.L_overlay_start_2:
0x1f6: {  	(tag) =	ssettag $0x2  }
0x1f7: {  	s0 =	rddreg [dreg:$0x0];
	s2 =	stileid.u32  }
0x1f8: {  	s1 =	rddreg [dreg:$0x1];
	p0 =	sne.s32 s2, $0x0  }
0x1f9: {  	s3 =	rddreg [dreg:$0x2];
	[bflag:$0x3] =	sbarrier.arrive $0xFFFF;
	s2 =	simm.s32 @!p0 $0x1C0D  }
0x1fa: {  	[timem:s3], [sflag:s2] =	dma.local @!p0 [hbm:s0], s1  }
0x1fb: {  	s0 =	simm.s32 @!p0 $0xD  }
0x1fc: {  	_ =	swait.ge @!p0 [sflag:s0], s1  }
0x1fd: {  	s1 =	ssub.s32 @!p0 $0x0, s1;
	[sflag:s0] =	ssyncset.done @!p0 $0x0  }
0x1fe: {  	[sflag:s0] =	ssyncadd.s32 @!p0 s1  }
0x1ff: {  	[bflag:$0x3] =	sbarrier.arrive $0xFFFF  }
0x200: {  	_ =	shalt  }

</sc_bundles>
